<compile_context>
chip_gen: v7x
topology: tpu7x:2x2x1
jax: 0.10.2.dev20260603
libtpu: 0.0.44.dev20260713+nightly
codegen_flags: <defaults>
</compile_context>

<pallas_src>
import functools

import jax
import jax.numpy as jnp
from jax import lax
from jax.experimental import pallas as pl
from jax.experimental.pallas import tpu as pltpu
from jax.experimental.pallas import tpu_sc as plsc

_D = 64
_DP = 128
_NW = 32
_CHUNK = 400
_NBUF = 2
_S = 50
_SP = 56


def _gather_rows(table, idx3):
    n_chunks = idx3.shape[1]
    b_per_w = n_chunks * _CHUNK
    n = _NW * b_per_w
    n_rows = n // _S
    mesh = plsc.VectorSubcoreMesh(core_axis_name="c", subcore_axis_name="s")

    @functools.partial(
        pl.kernel,
        out_type=jax.ShapeDtypeStruct((n_rows * _SP, _DP), jnp.float32),
        mesh=mesh,
        scratch_types=[
            pltpu.VMEM((n_chunks, _CHUNK), jnp.int32),
            pltpu.VMEM((_NBUF, _CHUNK, _D), jnp.float32),
            pltpu.SemaphoreType.DMA,
        ],
        compiler_params=pltpu.CompilerParams(use_tc_tiling_on_sc=False),
    )
    def k(table_hbm, idx_hbm, out_hbm, idx_v, rows_v, gsem):
        wid = lax.axis_index("s") * 2 + lax.axis_index("c")
        w_base = wid * b_per_w
        pltpu.sync_copy(idx_hbm.at[wid], idx_v)

        def start_gather(c, b):
            pltpu.async_copy(table_hbm.at[idx_v.at[c]], rows_v.at[b], gsem)

        def finish(c, b):
            pltpu.make_async_copy(
                table_hbm.at[idx_v.at[c]], rows_v.at[b], gsem
            ).wait()
            first = w_base + c * _CHUNK
            nblk = first // _S
            for g in range(_CHUNK // _S):
                base = pl.multiple_of((nblk + g) * _SP, 8)
                pltpu.sync_copy(
                    rows_v.at[b, pl.ds(g * _S, _S), :],
                    out_hbm.at[pl.ds(base, _S), pl.ds(0, _D)],
                )

        for b in range(_NBUF):
            start_gather(b, b)

        def body(c, _):
            b = lax.rem(c, _NBUF)
            finish(c, b)
            start_gather(c + _NBUF, b)
            return ()

        lax.fori_loop(0, n_chunks - _NBUF, body, (), unroll=False)
        for t in range(n_chunks - _NBUF, n_chunks):
            finish(t, t % _NBUF)

    return k(table, idx3)


def kernel(x, embeddings):
    idx = x.reshape(-1).astype(jnp.int32)
    b_per_w = idx.shape[0] // _NW
    idx3 = idx.reshape(_NW, b_per_w // _CHUNK, _CHUNK)
    outp = _gather_rows(embeddings, idx3)
    out3 = outp.reshape(x.shape[0], _SP, _DP)
    return out3[:, :_S, :_D]

# --- scband reference (transcript-rebuilt; emitter-appended) ---
"""Pipeline reference for scband-embedding-2396591751199 (READ-ONLY COPY).

The authoritative reference and input builder live on the scoring server;
editing this copy changes nothing except your own understanding.
"""

import jax, jax.numpy as jnp
import numpy as np

VOCAB = 1000000
DIM = 64

def setup_inputs(seed: int = 0) -> dict:
    key = jax.random.key(seed)
    k1, k2 = jax.random.split(key)
    x = jax.random.randint(k1, (4096, 50), 0, VOCAB, dtype=jnp.int64 if jax.config.jax_enable_x64 else jnp.int32)
    embeddings = jax.random.normal(k2, (VOCAB, DIM), dtype=jnp.float32)
    return {"x": x, "embeddings": embeddings}

def reference(x, embeddings):
    # Faithful translation of torch: self.embeddings[x]
    return jnp.take(embeddings, x, axis=0)

if __name__ == "__main__":
    import jax
    _d = setup_inputs()
    print(jax.jit(kernel)(*tuple(_d.values())))

</pallas_src>

<mosaic_0001>
#map = affine_map<(d0, d1) -> (0, 0)>
#map1 = affine_map<(d0, d1) -> (0, 0, 0)>
module attributes {stable_mosaic.version = 14 : i64} {
  func.func @k(%arg0: i32, %arg1: i32, %arg2: memref<1000000x64xf32, #tpu.memory_space<hbm>>, %arg3: memref<32x16x400xi32, #tpu.memory_space<hbm>>, %arg4: memref<229376x128xf32, #tpu.memory_space<hbm>>, %arg5: memref<16x400xi32, #tpu.memory_space<vmem>>, %arg6: memref<2x400x64xf32, #tpu.memory_space<vmem>>, %arg7: memref<!tpu.dma_semaphore, #tpu.memory_space<semaphore_mem>>) attributes {dimension_semantics = [#tpu.dimension_semantics<core_parallel>, #tpu.dimension_semantics<subcore_parallel>], iteration_bounds = array<i64: 2, 16>, scalar_prefetch = 0 : i64, scratch_operands = 3 : i64, tpu.core_type = #tpu.core_type<sc_vector_subcore>, window_params = [{transform_indices = #map}, {transform_indices = #map1}, {transform_indices = #map}]} {
    %mul3A = arith.constant 2 : i32
    %mul3A_0 = arith.muli %arg1, %mul3A : i32
    %add3A = arith.addi %mul3A_0, %arg0 : i32
    %mul3A_1 = arith.constant 6400 : i32
    %mul3A_2 = arith.muli %add3A, %mul3A_1 : i32
    "tpu.region"() ({
      %run_scoped3A_191 = tpu.sem_alloc : memref<!tpu.dma_semaphore, #tpu.memory_space<semaphore_mem>>
      %dma_start3A_192 = arith.constant 0 : i32
      %dma_start3A_193 = arith.constant 0 : i32
      %dma_start3A_194 = tpu.memref_slice %arg3[%add3A, %dma_start3A_192, %dma_start3A_193] : memref<32x16x400xi32, #tpu.memory_space<hbm>> -> memref<1x16x400xi32, #tpu.memory_space<hbm>>
      %dma_start3A_195 = tpu.memref_squeeze %dma_start3A_194 : memref<1x16x400xi32, #tpu.memory_space<hbm>> -> memref<16x400xi32, #tpu.memory_space<hbm>>
      %dma_start3A_196 = arith.constant 0 : i32
      %dma_start3A_197 = arith.constant 0 : i32
      %dma_start3A_198 = tpu.memref_slice %arg3[%add3A, %dma_start3A_196, %dma_start3A_197] : memref<32x16x400xi32, #tpu.memory_space<hbm>> -> memref<1x16x400xi32, #tpu.memory_space<hbm>>
      %dma_start3A_199 = tpu.memref_squeeze %dma_start3A_198 : memref<1x16x400xi32, #tpu.memory_space<hbm>> -> memref<16x400xi32, #tpu.memory_space<hbm>>
      tpu.enqueue_dma source(%dma_start3A_199 : memref<16x400xi32, #tpu.memory_space<hbm>>) target(%arg5 : memref<16x400xi32, #tpu.memory_space<vmem>>) target_semaphore(%run_scoped3A_191 : memref<!tpu.dma_semaphore, #tpu.memory_space<semaphore_mem>>)
      %dma_wait3A_200 = arith.constant 0 : i32
      %dma_wait3A_201 = arith.constant 0 : i32
      %dma_wait3A_202 = tpu.memref_slice %arg3[%add3A, %dma_wait3A_200, %dma_wait3A_201] : memref<32x16x400xi32, #tpu.memory_space<hbm>> -> memref<1x16x400xi32, #tpu.memory_space<hbm>>
      %dma_wait3A_203 = tpu.memref_squeeze %dma_wait3A_202 : memref<1x16x400xi32, #tpu.memory_space<hbm>> -> memref<16x400xi32, #tpu.memory_space<hbm>>
      %dma_wait3A_204 = arith.constant 0 : i32
      %dma_wait3A_205 = arith.constant 0 : i32
      %dma_wait3A_206 = tpu.memref_slice %arg3[%add3A, %dma_wait3A_204, %dma_wait3A_205] : memref<32x16x400xi32, #tpu.memory_space<hbm>> -> memref<1x16x400xi32, #tpu.memory_space<hbm>>
      %dma_wait3A_207 = tpu.memref_squeeze %dma_wait3A_206 : memref<1x16x400xi32, #tpu.memory_space<hbm>> -> memref<16x400xi32, #tpu.memory_space<hbm>>
      tpu.wait_dma2 semaphore(%run_scoped3A_191 : memref<!tpu.dma_semaphore, #tpu.memory_space<semaphore_mem>>) src(%dma_wait3A_207 : memref<16x400xi32, #tpu.memory_space<hbm>>) dst(%arg5 : memref<16x400xi32, #tpu.memory_space<vmem>>)
      tpu.yield
    }) : () -> ()
    %dma_start3A = arith.constant 0 : i32
    %dma_start3A_3 = arith.constant 0 : i32
    %dma_start3A_4 = arith.constant 0 : i32
    %dma_start3A_5 = arith.constant 0 : i32
    %dma_start3A_6 = tpu.memref_slice %arg6[%dma_start3A_3, %dma_start3A_4, %dma_start3A_5] : memref<2x400x64xf32, #tpu.memory_space<vmem>> -> memref<1x400x64xf32, #tpu.memory_space<vmem>>
    %dma_start3A_7 = tpu.memref_squeeze %dma_start3A_6 : memref<1x400x64xf32, #tpu.memory_space<vmem>> -> memref<400x64xf32, #tpu.memory_space<vmem>>
    %dma_start3A_8 = arith.constant 0 : i32
    %dma_start3A_9 = tpu.memref_slice %arg5[%dma_start3A, %dma_start3A_8] : memref<16x400xi32, #tpu.memory_space<vmem>> -> memref<1x400xi32, #tpu.memory_space<vmem>>
    %dma_start3A_10 = tpu.memref_squeeze %dma_start3A_9 : memref<1x400xi32, #tpu.memory_space<vmem>> -> memref<400xi32, #tpu.memory_space<vmem>>
    %dma_start3A_11 = arith.constant 0 : i32
    %dma_start3A_12 = arith.constant 0 : i32
    %dma_start3A_13 = tpu.memref_slice %arg2[%dma_start3A_11, %dma_start3A_12] : memref<1000000x64xf32, #tpu.memory_space<hbm>> -> memref<1000000x64xf32, #tpu.memory_space<hbm>>
    tpu.enqueue_indirect_dma source(%dma_start3A_13 : memref<1000000x64xf32, #tpu.memory_space<hbm>>) target(%dma_start3A_7 : memref<400x64xf32, #tpu.memory_space<vmem>>) offsets(%dma_start3A_10 : memref<400xi32, #tpu.memory_space<vmem>>) semaphore(%arg7 : memref<!tpu.dma_semaphore, #tpu.memory_space<semaphore_mem>>)
    %dma_start3A_14 = arith.constant 1 : i32
    %dma_start3A_15 = arith.constant 1 : i32
    %dma_start3A_16 = arith.constant 0 : i32
    %dma_start3A_17 = arith.constant 0 : i32
    %dma_start3A_18 = tpu.memref_slice %arg6[%dma_start3A_15, %dma_start3A_16, %dma_start3A_17] : memref<2x400x64xf32, #tpu.memory_space<vmem>> -> memref<1x400x64xf32, #tpu.memory_space<vmem>>
    %dma_start3A_19 = tpu.memref_squeeze %dma_start3A_18 : memref<1x400x64xf32, #tpu.memory_space<vmem>> -> memref<400x64xf32, #tpu.memory_space<vmem>>
    %dma_start3A_20 = arith.constant 0 : i32
    %dma_start3A_21 = tpu.memref_slice %arg5[%dma_start3A_14, %dma_start3A_20] : memref<16x400xi32, #tpu.memory_space<vmem>> -> memref<1x400xi32, #tpu.memory_space<vmem>>
    %dma_start3A_22 = tpu.memref_squeeze %dma_start3A_21 : memref<1x400xi32, #tpu.memory_space<vmem>> -> memref<400xi32, #tpu.memory_space<vmem>>
    %dma_start3A_23 = arith.constant 0 : i32
    %dma_start3A_24 = arith.constant 0 : i32
    %dma_start3A_25 = tpu.memref_slice %arg2[%dma_start3A_23, %dma_start3A_24] : memref<1000000x64xf32, #tpu.memory_space<hbm>> -> memref<1000000x64xf32, #tpu.memory_space<hbm>>
    tpu.enqueue_indirect_dma source(%dma_start3A_25 : memref<1000000x64xf32, #tpu.memory_space<hbm>>) target(%dma_start3A_19 : memref<400x64xf32, #tpu.memory_space<vmem>>) offsets(%dma_start3A_22 : memref<400xi32, #tpu.memory_space<vmem>>) semaphore(%arg7 : memref<!tpu.dma_semaphore, #tpu.memory_space<semaphore_mem>>)
    %scan3A = arith.constant 0 : i32
    %scan3A_26 = arith.constant 14 : i32
    %scan3A_27 = arith.addi %scan3A, %scan3A_26 : i32
    %scan3A_28 = arith.constant 1 : i32
    scf.for %scan3A_191 = %scan3A to %scan3A_27 step %scan3A_28  : i32 {
      %rem3A_192 = arith.constant 2 : i32
      %rem3A_193 = arith.remsi %scan3A_191, %rem3A_192 : i32
      %dma_wait3A_194 = arith.constant 0 : i32
      %dma_wait3A_195 = arith.constant 0 : i32
      %dma_wait3A_196 = tpu.memref_slice %arg6[%rem3A_193, %dma_wait3A_194, %dma_wait3A_195] : memref<2x400x64xf32, #tpu.memory_space<vmem>> -> memref<1x400x64xf32, #tpu.memory_space<vmem>>
      %dma_wait3A_197 = tpu.memref_squeeze %dma_wait3A_196 : memref<1x400x64xf32, #tpu.memory_space<vmem>> -> memref<400x64xf32, #tpu.memory_space<vmem>>
      %dma_wait3A_198 = arith.constant 0 : i32
      %dma_wait3A_199 = tpu.memref_slice %arg5[%scan3A_191, %dma_wait3A_198] : memref<16x400xi32, #tpu.memory_space<vmem>> -> memref<1x400xi32, #tpu.memory_space<vmem>>
      %dma_wait3A_200 = tpu.memref_squeeze %dma_wait3A_199 : memref<1x400xi32, #tpu.memory_space<vmem>> -> memref<400xi32, #tpu.memory_space<vmem>>
      %dma_wait3A_201 = arith.constant 0 : i32
      %dma_wait3A_202 = arith.constant 0 : i32
      %dma_wait3A_203 = tpu.memref_slice %arg2[%dma_wait3A_201, %dma_wait3A_202] : memref<1000000x64xf32, #tpu.memory_space<hbm>> -> memref<1000000x64xf32, #tpu.memory_space<hbm>>
      tpu.wait_indirect_dma semaphore(%arg7 : memref<!tpu.dma_semaphore, #tpu.memory_space<semaphore_mem>>) src(%dma_wait3A_203 : memref<1000000x64xf32, #tpu.memory_space<hbm>>) dst(%dma_wait3A_197 : memref<400x64xf32, #tpu.memory_space<vmem>>)
      %mul3A_204 = arith.constant 400 : i32
      %mul3A_205 = arith.muli %scan3A_191, %mul3A_204 : i32
      %add3A_206 = arith.addi %mul3A_2, %mul3A_205 : i32
      %jit3A_207 = arith.constant 50 : i32
      %div3A_208 = arith.divsi %add3A_206, %jit3A_207 : i32
      %sign3A_209 = arith.constant 0 : i32
      %sign3A_210 = arith.cmpi sgt, %add3A_206, %sign3A_209 : i32
      %sign3A_211 = arith.extui %sign3A_210 : i1 to i32
      %sign3A_212 = arith.constant 0 : i32
      %sign3A_213 = arith.cmpi slt, %add3A_206, %sign3A_212 : i32
      %sign3A_214 = arith.extui %sign3A_213 : i1 to i32
      %sign3A_215 = arith.subi %sign3A_211, %sign3A_214 : i32
      %sign3A_216 = arith.constant 0 : i32
      %sign3A_217 = arith.cmpi sgt, %jit3A_207, %sign3A_216 : i32
      %sign3A_218 = arith.extui %sign3A_217 : i1 to i32
      %sign3A_219 = arith.constant 0 : i32
      %sign3A_220 = arith.cmpi slt, %jit3A_207, %sign3A_219 : i32
      %sign3A_221 = arith.extui %sign3A_220 : i1 to i32
      %sign3A_222 = arith.subi %sign3A_218, %sign3A_221 : i32
      %ne3A_223 = arith.cmpi ne, %sign3A_215, %sign3A_222 : i32
      %rem3A_224 = arith.remsi %add3A_206, %jit3A_207 : i32
      %ne3A_225 = arith.constant 0 : i32
      %ne3A_226 = arith.cmpi ne, %rem3A_224, %ne3A_225 : i32
      %and3A_227 = arith.andi %ne3A_223, %ne3A_226 : i1
      %sub3A_228 = arith.constant 1 : i32
      %sub3A_229 = arith.subi %div3A_208, %sub3A_228 : i32
      %select_n3A_230 = arith.select %and3A_227, %sub3A_229, %div3A_208 : i32
      %add3A_231 = arith.constant 0 : i32
      %add3A_232 = arith.addi %select_n3A_230, %add3A_231 : i32
      %mul3A_233 = arith.constant 56 : i32
      %mul3A_234 = arith.muli %add3A_232, %mul3A_233 : i32
      %multiple_of3A_235 = tpu.assume_multiple %mul3A_234, 8 : i32
      "tpu.region"() ({
        %run_scoped3A_283 = tpu.sem_alloc : memref<!tpu.dma_semaphore, #tpu.memory_space<semaphore_mem>>
        %dma_start3A_284 = arith.constant 0 : i32
        %dma_start3A_285 = arith.constant 0 : i32
        %dma_start3A_286 = tpu.memref_slice %arg6[%rem3A_193, %dma_start3A_284, %dma_start3A_285] : memref<2x400x64xf32, #tpu.memory_space<vmem>> -> memref<1x50x64xf32, #tpu.memory_space<vmem>>
        %dma_start3A_287 = tpu.memref_squeeze %dma_start3A_286 : memref<1x50x64xf32, #tpu.memory_space<vmem>> -> memref<50x64xf32, #tpu.memory_space<vmem>>
        %dma_start3A_288 = arith.constant 0 : i32
        %dma_start3A_289 = tpu.memref_slice %arg4[%multiple_of3A_235, %dma_start3A_288] : memref<229376x128xf32, #tpu.memory_space<hbm>> -> memref<50x64xf32, #tpu.memory_space<hbm>>
        %dma_start3A_290 = arith.constant 0 : i32
        %dma_start3A_291 = tpu.memref_slice %arg4[%multiple_of3A_235, %dma_start3A_290] : memref<229376x128xf32, #tpu.memory_space<hbm>> -> memref<50x64xf32, #tpu.memory_space<hbm>>
        %dma_start3A_292 = arith.constant 0 : i32
        %dma_start3A_293 = arith.constant 0 : i32
        %dma_start3A_294 = tpu.memref_slice %arg6[%rem3A_193, %dma_start3A_292, %dma_start3A_293] : memref<2x400x64xf32, #tpu.memory_space<vmem>> -> memref<1x50x64xf32, #tpu.memory_space<vmem>>
        %dma_start3A_295 = tpu.memref_squeeze %dma_start3A_294 : memref<1x50x64xf32, #tpu.memory_space<vmem>> -> memref<50x64xf32, #tpu.memory_space<vmem>>
        tpu.enqueue_dma source(%dma_start3A_295 : memref<50x64xf32, #tpu.memory_space<vmem>>) target(%dma_start3A_291 : memref<50x64xf32, #tpu.memory_space<hbm>>) target_semaphore(%run_scoped3A_283 : memref<!tpu.dma_semaphore, #tpu.memory_space<semaphore_mem>>)
        %dma_wait3A_296 = arith.constant 0 : i32
        %dma_wait3A_297 = arith.constant 0 : i32
        %dma_wait3A_298 = tpu.memref_slice %arg6[%rem3A_193, %dma_wait3A_296, %dma_wait3A_297] : memref<2x400x64xf32, #tpu.memory_space<vmem>> -> memref<1x50x64xf32, #tpu.memory_space<vmem>>
        %dma_wait3A_299 = tpu.memref_squeeze %dma_wait3A_298 : memref<1x50x64xf32, #tpu.memory_space<vmem>> -> memref<50x64xf32, #tpu.memory_space<vmem>>
        %dma_wait3A_300 = arith.constant 0 : i32
        %dma_wait3A_301 = tpu.memref_slice %arg4[%multiple_of3A_235, %dma_wait3A_300] : memref<229376x128xf32, #tpu.memory_space<hbm>> -> memref<50x64xf32, #tpu.memory_space<hbm>>
        %dma_wait3A_302 = arith.constant 0 : i32
        %dma_wait3A_303 = tpu.memref_slice %arg4[%multiple_of3A_235, %dma_wait3A_302] : memref<229376x128xf32, #tpu.memory_space<hbm>> -> memref<50x64xf32, #tpu.memory_space<hbm>>
        %dma_wait3A_304 = arith.constant 0 : i32
        %dma_wait3A_305 = arith.constant 0 : i32
        %dma_wait3A_306 = tpu.memref_slice %arg6[%rem3A_193, %dma_wait3A_304, %dma_wait3A_305] : memref<2x400x64xf32, #tpu.memory_space<vmem>> -> memref<1x50x64xf32, #tpu.memory_space<vmem>>
        %dma_wait3A_307 = tpu.memref_squeeze %dma_wait3A_306 : memref<1x50x64xf32, #tpu.memory_space<vmem>> -> memref<50x64xf32, #tpu.memory_space<vmem>>
        tpu.wait_dma2 semaphore(%run_scoped3A_283 : memref<!tpu.dma_semaphore, #tpu.memory_space<semaphore_mem>>) src(%dma_wait3A_307 : memref<50x64xf32, #tpu.memory_space<vmem>>) dst(%dma_wait3A_303 : memref<50x64xf32, #tpu.memory_space<hbm>>)
        tpu.yield
      }) : () -> ()
      %add3A_236 = arith.constant 1 : i32
      %add3A_237 = arith.addi %select_n3A_230, %add3A_236 : i32
      %mul3A_238 = arith.constant 56 : i32
      %mul3A_239 = arith.muli %add3A_237, %mul3A_238 : i32
      %multiple_of3A_240 = tpu.assume_multiple %mul3A_239, 8 : i32
      "tpu.region"() ({
        %run_scoped3A_283 = tpu.sem_alloc : memref<!tpu.dma_semaphore, #tpu.memory_space<semaphore_mem>>
        %dma_start3A_284 = arith.constant 50 : i32
        %dma_start3A_285 = arith.constant 0 : i32
        %dma_start3A_286 = tpu.memref_slice %arg6[%rem3A_193, %dma_start3A_284, %dma_start3A_285] : memref<2x400x64xf32, #tpu.memory_space<vmem>> -> memref<1x50x64xf32, #tpu.memory_space<vmem>>
        %dma_start3A_287 = tpu.memref_squeeze %dma_start3A_286 : memref<1x50x64xf32, #tpu.memory_space<vmem>> -> memref<50x64xf32, #tpu.memory_space<vmem>>
        %dma_start3A_288 = arith.constant 0 : i32
        %dma_start3A_289 = tpu.memref_slice %arg4[%multiple_of3A_240, %dma_start3A_288] : memref<229376x128xf32, #tpu.memory_space<hbm>> -> memref<50x64xf32, #tpu.memory_space<hbm>>
        %dma_start3A_290 = arith.constant 0 : i32
        %dma_start3A_291 = tpu.memref_slice %arg4[%multiple_of3A_240, %dma_start3A_290] : memref<229376x128xf32, #tpu.memory_space<hbm>> -> memref<50x64xf32, #tpu.memory_space<hbm>>
        %dma_start3A_292 = arith.constant 50 : i32
        %dma_start3A_293 = arith.constant 0 : i32
        %dma_start3A_294 = tpu.memref_slice %arg6[%rem3A_193, %dma_start3A_292, %dma_start3A_293] : memref<2x400x64xf32, #tpu.memory_space<vmem>> -> memref<1x50x64xf32, #tpu.memory_space<vmem>>
        %dma_start3A_295 = tpu.memref_squeeze %dma_start3A_294 : memref<1x50x64xf32, #tpu.memory_space<vmem>> -> memref<50x64xf32, #tpu.memory_space<vmem>>
        tpu.enqueue_dma source(%dma_start3A_295 : memref<50x64xf32, #tpu.memory_space<vmem>>) target(%dma_start3A_291 : memref<50x64xf32, #tpu.memory_space<hbm>>) target_semaphore(%run_scoped3A_283 : memref<!tpu.dma_semaphore, #tpu.memory_space<semaphore_mem>>)
        %dma_wait3A_296 = arith.constant 50 : i32
        %dma_wait3A_297 = arith.constant 0 : i32
        %dma_wait3A_298 = tpu.memref_slice %arg6[%rem3A_193, %dma_wait3A_296, %dma_wait3A_297] : memref<2x400x64xf32, #tpu.memory_space<vmem>> -> memref<1x50x64xf32, #tpu.memory_space<vmem>>
        %dma_wait3A_299 = tpu.memref_squeeze %dma_wait3A_298 : memref<1x50x64xf32, #tpu.memory_space<vmem>> -> memref<50x64xf32, #tpu.memory_space<vmem>>
        %dma_wait3A_300 = arith.constant 0 : i32
        %dma_wait3A_301 = tpu.memref_slice %arg4[%multiple_of3A_240, %dma_wait3A_300] : memref<229376x128xf32, #tpu.memory_space<hbm>> -> memref<50x64xf32, #tpu.memory_space<hbm>>
        %dma_wait3A_302 = arith.constant 0 : i32
        %dma_wait3A_303 = tpu.memref_slice %arg4[%multiple_of3A_240, %dma_wait3A_302] : memref<229376x128xf32, #tpu.memory_space<hbm>> -> memref<50x64xf32, #tpu.memory_space<hbm>>
        %dma_wait3A_304 = arith.constant 50 : i32
        %dma_wait3A_305 = arith.constant 0 : i32
        %dma_wait3A_306 = tpu.memref_slice %arg6[%rem3A_193, %dma_wait3A_304, %dma_wait3A_305] : memref<2x400x64xf32, #tpu.memory_space<vmem>> -> memref<1x50x64xf32, #tpu.memory_space<vmem>>
        %dma_wait3A_307 = tpu.memref_squeeze %dma_wait3A_306 : memref<1x50x64xf32, #tpu.memory_space<vmem>> -> memref<50x64xf32, #tpu.memory_space<vmem>>
        tpu.wait_dma2 semaphore(%run_scoped3A_283 : memref<!tpu.dma_semaphore, #tpu.memory_space<semaphore_mem>>) src(%dma_wait3A_307 : memref<50x64xf32, #tpu.memory_space<vmem>>) dst(%dma_wait3A_303 : memref<50x64xf32, #tpu.memory_space<hbm>>)
        tpu.yield
      }) : () -> ()
      %add3A_241 = arith.constant 2 : i32
      %add3A_242 = arith.addi %select_n3A_230, %add3A_241 : i32
      %mul3A_243 = arith.constant 56 : i32
      %mul3A_244 = arith.muli %add3A_242, %mul3A_243 : i32
      %multiple_of3A_245 = tpu.assume_multiple %mul3A_244, 8 : i32
      "tpu.region"() ({
        %run_scoped3A_283 = tpu.sem_alloc : memref<!tpu.dma_semaphore, #tpu.memory_space<semaphore_mem>>
        %dma_start3A_284 = arith.constant 100 : i32
        %dma_start3A_285 = arith.constant 0 : i32
        %dma_start3A_286 = tpu.memref_slice %arg6[%rem3A_193, %dma_start3A_284, %dma_start3A_285] : memref<2x400x64xf32, #tpu.memory_space<vmem>> -> memref<1x50x64xf32, #tpu.memory_space<vmem>>
        %dma_start3A_287 = tpu.memref_squeeze %dma_start3A_286 : memref<1x50x64xf32, #tpu.memory_space<vmem>> -> memref<50x64xf32, #tpu.memory_space<vmem>>
        %dma_start3A_288 = arith.constant 0 : i32
        %dma_start3A_289 = tpu.memref_slice %arg4[%multiple_of3A_245, %dma_start3A_288] : memref<229376x128xf32, #tpu.memory_space<hbm>> -> memref<50x64xf32, #tpu.memory_space<hbm>>
        %dma_start3A_290 = arith.constant 0 : i32
        %dma_start3A_291 = tpu.memref_slice %arg4[%multiple_of3A_245, %dma_start3A_290] : memref<229376x128xf32, #tpu.memory_space<hbm>> -> memref<50x64xf32, #tpu.memory_space<hbm>>
        %dma_start3A_292 = arith.constant 100 : i32
        %dma_start3A_293 = arith.constant 0 : i32
        %dma_start3A_294 = tpu.memref_slice %arg6[%rem3A_193, %dma_start3A_292, %dma_start3A_293] : memref<2x400x64xf32, #tpu.memory_space<vmem>> -> memref<1x50x64xf32, #tpu.memory_space<vmem>>
        %dma_start3A_295 = tpu.memref_squeeze %dma_start3A_294 : memref<1x50x64xf32, #tpu.memory_space<vmem>> -> memref<50x64xf32, #tpu.memory_space<vmem>>
        tpu.enqueue_dma source(%dma_start3A_295 : memref<50x64xf32, #tpu.memory_space<vmem>>) target(%dma_start3A_291 : memref<50x64xf32, #tpu.memory_space<hbm>>) target_semaphore(%run_scoped3A_283 : memref<!tpu.dma_semaphore, #tpu.memory_space<semaphore_mem>>)
        %dma_wait3A_296 = arith.constant 100 : i32
        %dma_wait3A_297 = arith.constant 0 : i32
        %dma_wait3A_298 = tpu.memref_slice %arg6[%rem3A_193, %dma_wait3A_296, %dma_wait3A_297] : memref<2x400x64xf32, #tpu.memory_space<vmem>> -> memref<1x50x64xf32, #tpu.memory_space<vmem>>
        %dma_wait3A_299 = tpu.memref_squeeze %dma_wait3A_298 : memref<1x50x64xf32, #tpu.memory_space<vmem>> -> memref<50x64xf32, #tpu.memory_space<vmem>>
        %dma_wait3A_300 = arith.constant 0 : i32
        %dma_wait3A_301 = tpu.memref_slice %arg4[%multiple_of3A_245, %dma_wait3A_300] : memref<229376x128xf32, #tpu.memory_space<hbm>> -> memref<50x64xf32, #tpu.memory_space<hbm>>
        %dma_wait3A_302 = arith.constant 0 : i32
        %dma_wait3A_303 = tpu.memref_slice %arg4[%multiple_of3A_245, %dma_wait3A_302] : memref<229376x128xf32, #tpu.memory_space<hbm>> -> memref<50x64xf32, #tpu.memory_space<hbm>>
        %dma_wait3A_304 = arith.constant 100 : i32
        %dma_wait3A_305 = arith.constant 0 : i32
        %dma_wait3A_306 = tpu.memref_slice %arg6[%rem3A_193, %dma_wait3A_304, %dma_wait3A_305] : memref<2x400x64xf32, #tpu.memory_space<vmem>> -> memref<1x50x64xf32, #tpu.memory_space<vmem>>
        %dma_wait3A_307 = tpu.memref_squeeze %dma_wait3A_306 : memref<1x50x64xf32, #tpu.memory_space<vmem>> -> memref<50x64xf32, #tpu.memory_space<vmem>>
        tpu.wait_dma2 semaphore(%run_scoped3A_283 : memref<!tpu.dma_semaphore, #tpu.memory_space<semaphore_mem>>) src(%dma_wait3A_307 : memref<50x64xf32, #tpu.memory_space<vmem>>) dst(%dma_wait3A_303 : memref<50x64xf32, #tpu.memory_space<hbm>>)
        tpu.yield
      }) : () -> ()
      %add3A_246 = arith.constant 3 : i32
      %add3A_247 = arith.addi %select_n3A_230, %add3A_246 : i32
      %mul3A_248 = arith.constant 56 : i32
      %mul3A_249 = arith.muli %add3A_247, %mul3A_248 : i32
      %multiple_of3A_250 = tpu.assume_multiple %mul3A_249, 8 : i32
      "tpu.region"() ({
        %run_scoped3A_283 = tpu.sem_alloc : memref<!tpu.dma_semaphore, #tpu.memory_space<semaphore_mem>>
        %dma_start3A_284 = arith.constant 150 : i32
        %dma_start3A_285 = arith.constant 0 : i32
        %dma_start3A_286 = tpu.memref_slice %arg6[%rem3A_193, %dma_start3A_284, %dma_start3A_285] : memref<2x400x64xf32, #tpu.memory_space<vmem>> -> memref<1x50x64xf32, #tpu.memory_space<vmem>>
        %dma_start3A_287 = tpu.memref_squeeze %dma_start3A_286 : memref<1x50x64xf32, #tpu.memory_space<vmem>> -> memref<50x64xf32, #tpu.memory_space<vmem>>
        %dma_start3A_288 = arith.constant 0 : i32
        %dma_start3A_289 = tpu.memref_slice %arg4[%multiple_of3A_250, %dma_start3A_288] : memref<229376x128xf32, #tpu.memory_space<hbm>> -> memref<50x64xf32, #tpu.memory_space<hbm>>
        %dma_start3A_290 = arith.constant 0 : i32
        %dma_start3A_291 = tpu.memref_slice %arg4[%multiple_of3A_250, %dma_start3A_290] : memref<229376x128xf32, #tpu.memory_space<hbm>> -> memref<50x64xf32, #tpu.memory_space<hbm>>
        %dma_start3A_292 = arith.constant 150 : i32
        %dma_start3A_293 = arith.constant 0 : i32
        %dma_start3A_294 = tpu.memref_slice %arg6[%rem3A_193, %dma_start3A_292, %dma_start3A_293] : memref<2x400x64xf32, #tpu.memory_space<vmem>> -> memref<1x50x64xf32, #tpu.memory_space<vmem>>
        %dma_start3A_295 = tpu.memref_squeeze %dma_start3A_294 : memref<1x50x64xf32, #tpu.memory_space<vmem>> -> memref<50x64xf32, #tpu.memory_space<vmem>>
        tpu.enqueue_dma source(%dma_start3A_295 : memref<50x64xf32, #tpu.memory_space<vmem>>) target(%dma_start3A_291 : memref<50x64xf32, #tpu.memory_space<hbm>>) target_semaphore(%run_scoped3A_283 : memref<!tpu.dma_semaphore, #tpu.memory_space<semaphore_mem>>)
        %dma_wait3A_296 = arith.constant 150 : i32
        %dma_wait3A_297 = arith.constant 0 : i32
        %dma_wait3A_298 = tpu.memref_slice %arg6[%rem3A_193, %dma_wait3A_296, %dma_wait3A_297] : memref<2x400x64xf32, #tpu.memory_space<vmem>> -> memref<1x50x64xf32, #tpu.memory_space<vmem>>
        %dma_wait3A_299 = tpu.memref_squeeze %dma_wait3A_298 : memref<1x50x64xf32, #tpu.memory_space<vmem>> -> memref<50x64xf32, #tpu.memory_space<vmem>>
        %dma_wait3A_300 = arith.constant 0 : i32
        %dma_wait3A_301 = tpu.memref_slice %arg4[%multiple_of3A_250, %dma_wait3A_300] : memref<229376x128xf32, #tpu.memory_space<hbm>> -> memref<50x64xf32, #tpu.memory_space<hbm>>
        %dma_wait3A_302 = arith.constant 0 : i32
        %dma_wait3A_303 = tpu.memref_slice %arg4[%multiple_of3A_250, %dma_wait3A_302] : memref<229376x128xf32, #tpu.memory_space<hbm>> -> memref<50x64xf32, #tpu.memory_space<hbm>>
        %dma_wait3A_304 = arith.constant 150 : i32
        %dma_wait3A_305 = arith.constant 0 : i32
        %dma_wait3A_306 = tpu.memref_slice %arg6[%rem3A_193, %dma_wait3A_304, %dma_wait3A_305] : memref<2x400x64xf32, #tpu.memory_space<vmem>> -> memref<1x50x64xf32, #tpu.memory_space<vmem>>
        %dma_wait3A_307 = tpu.memref_squeeze %dma_wait3A_306 : memref<1x50x64xf32, #tpu.memory_space<vmem>> -> memref<50x64xf32, #tpu.memory_space<vmem>>
        tpu.wait_dma2 semaphore(%run_scoped3A_283 : memref<!tpu.dma_semaphore, #tpu.memory_space<semaphore_mem>>) src(%dma_wait3A_307 : memref<50x64xf32, #tpu.memory_space<vmem>>) dst(%dma_wait3A_303 : memref<50x64xf32, #tpu.memory_space<hbm>>)
        tpu.yield
      }) : () -> ()
      %add3A_251 = arith.constant 4 : i32
      %add3A_252 = arith.addi %select_n3A_230, %add3A_251 : i32
      %mul3A_253 = arith.constant 56 : i32
      %mul3A_254 = arith.muli %add3A_252, %mul3A_253 : i32
      %multiple_of3A_255 = tpu.assume_multiple %mul3A_254, 8 : i32
      "tpu.region"() ({
        %run_scoped3A_283 = tpu.sem_alloc : memref<!tpu.dma_semaphore, #tpu.memory_space<semaphore_mem>>
        %dma_start3A_284 = arith.constant 200 : i32
        %dma_start3A_285 = arith.constant 0 : i32
        %dma_start3A_286 = tpu.memref_slice %arg6[%rem3A_193, %dma_start3A_284, %dma_start3A_285] : memref<2x400x64xf32, #tpu.memory_space<vmem>> -> memref<1x50x64xf32, #tpu.memory_space<vmem>>
        %dma_start3A_287 = tpu.memref_squeeze %dma_start3A_286 : memref<1x50x64xf32, #tpu.memory_space<vmem>> -> memref<50x64xf32, #tpu.memory_space<vmem>>
        %dma_start3A_288 = arith.constant 0 : i32
        %dma_start3A_289 = tpu.memref_slice %arg4[%multiple_of3A_255, %dma_start3A_288] : memref<229376x128xf32, #tpu.memory_space<hbm>> -> memref<50x64xf32, #tpu.memory_space<hbm>>
        %dma_start3A_290 = arith.constant 0 : i32
        %dma_start3A_291 = tpu.memref_slice %arg4[%multiple_of3A_255, %dma_start3A_290] : memref<229376x128xf32, #tpu.memory_space<hbm>> -> memref<50x64xf32, #tpu.memory_space<hbm>>
        %dma_start3A_292 = arith.constant 200 : i32
        %dma_start3A_293 = arith.constant 0 : i32
        %dma_start3A_294 = tpu.memref_slice %arg6[%rem3A_193, %dma_start3A_292, %dma_start3A_293] : memref<2x400x64xf32, #tpu.memory_space<vmem>> -> memref<1x50x64xf32, #tpu.memory_space<vmem>>
        %dma_start3A_295 = tpu.memref_squeeze %dma_start3A_294 : memref<1x50x64xf32, #tpu.memory_space<vmem>> -> memref<50x64xf32, #tpu.memory_space<vmem>>
        tpu.enqueue_dma source(%dma_start3A_295 : memref<50x64xf32, #tpu.memory_space<vmem>>) target(%dma_start3A_291 : memref<50x64xf32, #tpu.memory_space<hbm>>) target_semaphore(%run_scoped3A_283 : memref<!tpu.dma_semaphore, #tpu.memory_space<semaphore_mem>>)
        %dma_wait3A_296 = arith.constant 200 : i32
        %dma_wait3A_297 = arith.constant 0 : i32
        %dma_wait3A_298 = tpu.memref_slice %arg6[%rem3A_193, %dma_wait3A_296, %dma_wait3A_297] : memref<2x400x64xf32, #tpu.memory_space<vmem>> -> memref<1x50x64xf32, #tpu.memory_space<vmem>>
        %dma_wait3A_299 = tpu.memref_squeeze %dma_wait3A_298 : memref<1x50x64xf32, #tpu.memory_space<vmem>> -> memref<50x64xf32, #tpu.memory_space<vmem>>
        %dma_wait3A_300 = arith.constant 0 : i32
        %dma_wait3A_301 = tpu.memref_slice %arg4[%multiple_of3A_255, %dma_wait3A_300] : memref<229376x128xf32, #tpu.memory_space<hbm>> -> memref<50x64xf32, #tpu.memory_space<hbm>>
        %dma_wait3A_302 = arith.constant 0 : i32
        %dma_wait3A_303 = tpu.memref_slice %arg4[%multiple_of3A_255, %dma_wait3A_302] : memref<229376x128xf32, #tpu.memory_space<hbm>> -> memref<50x64xf32, #tpu.memory_space<hbm>>
        %dma_wait3A_304 = arith.constant 200 : i32
        %dma_wait3A_305 = arith.constant 0 : i32
        %dma_wait3A_306 = tpu.memref_slice %arg6[%rem3A_193, %dma_wait3A_304, %dma_wait3A_305] : memref<2x400x64xf32, #tpu.memory_space<vmem>> -> memref<1x50x64xf32, #tpu.memory_space<vmem>>
        %dma_wait3A_307 = tpu.memref_squeeze %dma_wait3A_306 : memref<1x50x64xf32, #tpu.memory_space<vmem>> -> memref<50x64xf32, #tpu.memory_space<vmem>>
        tpu.wait_dma2 semaphore(%run_scoped3A_283 : memref<!tpu.dma_semaphore, #tpu.memory_space<semaphore_mem>>) src(%dma_wait3A_307 : memref<50x64xf32, #tpu.memory_space<vmem>>) dst(%dma_wait3A_303 : memref<50x64xf32, #tpu.memory_space<hbm>>)
        tpu.yield
      }) : () -> ()
      %add3A_256 = arith.constant 5 : i32
      %add3A_257 = arith.addi %select_n3A_230, %add3A_256 : i32
      %mul3A_258 = arith.constant 56 : i32
      %mul3A_259 = arith.muli %add3A_257, %mul3A_258 : i32
      %multiple_of3A_260 = tpu.assume_multiple %mul3A_259, 8 : i32
      "tpu.region"() ({
        %run_scoped3A_283 = tpu.sem_alloc : memref<!tpu.dma_semaphore, #tpu.memory_space<semaphore_mem>>
        %dma_start3A_284 = arith.constant 250 : i32
        %dma_start3A_285 = arith.constant 0 : i32
        %dma_start3A_286 = tpu.memref_slice %arg6[%rem3A_193, %dma_start3A_284, %dma_start3A_285] : memref<2x400x64xf32, #tpu.memory_space<vmem>> -> memref<1x50x64xf32, #tpu.memory_space<vmem>>
        %dma_start3A_287 = tpu.memref_squeeze %dma_start3A_286 : memref<1x50x64xf32, #tpu.memory_space<vmem>> -> memref<50x64xf32, #tpu.memory_space<vmem>>
        %dma_start3A_288 = arith.constant 0 : i32
        %dma_start3A_289 = tpu.memref_slice %arg4[%multiple_of3A_260, %dma_start3A_288] : memref<229376x128xf32, #tpu.memory_space<hbm>> -> memref<50x64xf32, #tpu.memory_space<hbm>>
        %dma_start3A_290 = arith.constant 0 : i32
        %dma_start3A_291 = tpu.memref_slice %arg4[%multiple_of3A_260, %dma_start3A_290] : memref<229376x128xf32, #tpu.memory_space<hbm>> -> memref<50x64xf32, #tpu.memory_space<hbm>>
        %dma_start3A_292 = arith.constant 250 : i32
        %dma_start3A_293 = arith.constant 0 : i32
        %dma_start3A_294 = tpu.memref_slice %arg6[%rem3A_193, %dma_start3A_292, %dma_start3A_293] : memref<2x400x64xf32, #tpu.memory_space<vmem>> -> memref<1x50x64xf32, #tpu.memory_space<vmem>>
        %dma_start3A_295 = tpu.memref_squeeze %dma_start3A_294 : memref<1x50x64xf32, #tpu.memory_space<vmem>> -> memref<50x64xf32, #tpu.memory_space<vmem>>
        tpu.enqueue_dma source(%dma_start3A_295 : memref<50x64xf32, #tpu.memory_space<vmem>>) target(%dma_start3A_291 : memref<50x64xf32, #tpu.memory_space<hbm>>) target_semaphore(%run_scoped3A_283 : memref<!tpu.dma_semaphore, #tpu.memory_space<semaphore_mem>>)
        %dma_wait3A_296 = arith.constant 250 : i32
        %dma_wait3A_297 = arith.constant 0 : i32
        %dma_wait3A_298 = tpu.memref_slice %arg6[%rem3A_193, %dma_wait3A_296, %dma_wait3A_297] : memref<2x400x64xf32, #tpu.memory_space<vmem>> -> memref<1x50x64xf32, #tpu.memory_space<vmem>>
        %dma_wait3A_299 = tpu.memref_squeeze %dma_wait3A_298 : memref<1x50x64xf32, #tpu.memory_space<vmem>> -> memref<50x64xf32, #tpu.memory_space<vmem>>
        %dma_wait3A_300 = arith.constant 0 : i32
        %dma_wait3A_301 = tpu.memref_slice %arg4[%multiple_of3A_260, %dma_wait3A_300] : memref<229376x128xf32, #tpu.memory_space<hbm>> -> memref<50x64xf32, #tpu.memory_space<hbm>>
        %dma_wait3A_302 = arith.constant 0 : i32
        %dma_wait3A_303 = tpu.memref_slice %arg4[%multiple_of3A_260, %dma_wait3A_302] : memref<229376x128xf32, #tpu.memory_space<hbm>> -> memref<50x64xf32, #tpu.memory_space<hbm>>
        %dma_wait3A_304 = arith.constant 250 : i32
        %dma_wait3A_305 = arith.constant 0 : i32
        %dma_wait3A_306 = tpu.memref_slice %arg6[%rem3A_193, %dma_wait3A_304, %dma_wait3A_305] : memref<2x400x64xf32, #tpu.memory_space<vmem>> -> memref<1x50x64xf32, #tpu.memory_space<vmem>>
        %dma_wait3A_307 = tpu.memref_squeeze %dma_wait3A_306 : memref<1x50x64xf32, #tpu.memory_space<vmem>> -> memref<50x64xf32, #tpu.memory_space<vmem>>
        tpu.wait_dma2 semaphore(%run_scoped3A_283 : memref<!tpu.dma_semaphore, #tpu.memory_space<semaphore_mem>>) src(%dma_wait3A_307 : memref<50x64xf32, #tpu.memory_space<vmem>>) dst(%dma_wait3A_303 : memref<50x64xf32, #tpu.memory_space<hbm>>)
        tpu.yield
      }) : () -> ()
      %add3A_261 = arith.constant 6 : i32
      %add3A_262 = arith.addi %select_n3A_230, %add3A_261 : i32
      %mul3A_263 = arith.constant 56 : i32
      %mul3A_264 = arith.muli %add3A_262, %mul3A_263 : i32
      %multiple_of3A_265 = tpu.assume_multiple %mul3A_264, 8 : i32
      "tpu.region"() ({
        %run_scoped3A_283 = tpu.sem_alloc : memref<!tpu.dma_semaphore, #tpu.memory_space<semaphore_mem>>
        %dma_start3A_284 = arith.constant 300 : i32
        %dma_start3A_285 = arith.constant 0 : i32
        %dma_start3A_286 = tpu.memref_slice %arg6[%rem3A_193, %dma_start3A_284, %dma_start3A_285] : memref<2x400x64xf32, #tpu.memory_space<vmem>> -> memref<1x50x64xf32, #tpu.memory_space<vmem>>
        %dma_start3A_287 = tpu.memref_squeeze %dma_start3A_286 : memref<1x50x64xf32, #tpu.memory_space<vmem>> -> memref<50x64xf32, #tpu.memory_space<vmem>>
        %dma_start3A_288 = arith.constant 0 : i32
        %dma_start3A_289 = tpu.memref_slice %arg4[%multiple_of3A_265, %dma_start3A_288] : memref<229376x128xf32, #tpu.memory_space<hbm>> -> memref<50x64xf32, #tpu.memory_space<hbm>>
        %dma_start3A_290 = arith.constant 0 : i32
        %dma_start3A_291 = tpu.memref_slice %arg4[%multiple_of3A_265, %dma_start3A_290] : memref<229376x128xf32, #tpu.memory_space<hbm>> -> memref<50x64xf32, #tpu.memory_space<hbm>>
        %dma_start3A_292 = arith.constant 300 : i32
        %dma_start3A_293 = arith.constant 0 : i32
        %dma_start3A_294 = tpu.memref_slice %arg6[%rem3A_193, %dma_start3A_292, %dma_start3A_293] : memref<2x400x64xf32, #tpu.memory_space<vmem>> -> memref<1x50x64xf32, #tpu.memory_space<vmem>>
        %dma_start3A_295 = tpu.memref_squeeze %dma_start3A_294 : memref<1x50x64xf32, #tpu.memory_space<vmem>> -> memref<50x64xf32, #tpu.memory_space<vmem>>
        tpu.enqueue_dma source(%dma_start3A_295 : memref<50x64xf32, #tpu.memory_space<vmem>>) target(%dma_start3A_291 : memref<50x64xf32, #tpu.memory_space<hbm>>) target_semaphore(%run_scoped3A_283 : memref<!tpu.dma_semaphore, #tpu.memory_space<semaphore_mem>>)
        %dma_wait3A_296 = arith.constant 300 : i32
        %dma_wait3A_297 = arith.constant 0 : i32
        %dma_wait3A_298 = tpu.memref_slice %arg6[%rem3A_193, %dma_wait3A_296, %dma_wait3A_297] : memref<2x400x64xf32, #tpu.memory_space<vmem>> -> memref<1x50x64xf32, #tpu.memory_space<vmem>>
        %dma_wait3A_299 = tpu.memref_squeeze %dma_wait3A_298 : memref<1x50x64xf32, #tpu.memory_space<vmem>> -> memref<50x64xf32, #tpu.memory_space<vmem>>
        %dma_wait3A_300 = arith.constant 0 : i32
        %dma_wait3A_301 = tpu.memref_slice %arg4[%multiple_of3A_265, %dma_wait3A_300] : memref<229376x128xf32, #tpu.memory_space<hbm>> -> memref<50x64xf32, #tpu.memory_space<hbm>>
        %dma_wait3A_302 = arith.constant 0 : i32
        %dma_wait3A_303 = tpu.memref_slice %arg4[%multiple_of3A_265, %dma_wait3A_302] : memref<229376x128xf32, #tpu.memory_space<hbm>> -> memref<50x64xf32, #tpu.memory_space<hbm>>
        %dma_wait3A_304 = arith.constant 300 : i32
        %dma_wait3A_305 = arith.constant 0 : i32
        %dma_wait3A_306 = tpu.memref_slice %arg6[%rem3A_193, %dma_wait3A_304, %dma_wait3A_305] : memref<2x400x64xf32, #tpu.memory_space<vmem>> -> memref<1x50x64xf32, #tpu.memory_space<vmem>>
        %dma_wait3A_307 = tpu.memref_squeeze %dma_wait3A_306 : memref<1x50x64xf32, #tpu.memory_space<vmem>> -> memref<50x64xf32, #tpu.memory_space<vmem>>
        tpu.wait_dma2 semaphore(%run_scoped3A_283 : memref<!tpu.dma_semaphore, #tpu.memory_space<semaphore_mem>>) src(%dma_wait3A_307 : memref<50x64xf32, #tpu.memory_space<vmem>>) dst(%dma_wait3A_303 : memref<50x64xf32, #tpu.memory_space<hbm>>)
        tpu.yield
      }) : () -> ()
      %add3A_266 = arith.constant 7 : i32
      %add3A_267 = arith.addi %select_n3A_230, %add3A_266 : i32
      %mul3A_268 = arith.constant 56 : i32
      %mul3A_269 = arith.muli %add3A_267, %mul3A_268 : i32
      %multiple_of3A_270 = tpu.assume_multiple %mul3A_269, 8 : i32
      "tpu.region"() ({
        %run_scoped3A_283 = tpu.sem_alloc : memref<!tpu.dma_semaphore, #tpu.memory_space<semaphore_mem>>
        %dma_start3A_284 = arith.constant 350 : i32
        %dma_start3A_285 = arith.constant 0 : i32
        %dma_start3A_286 = tpu.memref_slice %arg6[%rem3A_193, %dma_start3A_284, %dma_start3A_285] : memref<2x400x64xf32, #tpu.memory_space<vmem>> -> memref<1x50x64xf32, #tpu.memory_space<vmem>>
        %dma_start3A_287 = tpu.memref_squeeze %dma_start3A_286 : memref<1x50x64xf32, #tpu.memory_space<vmem>> -> memref<50x64xf32, #tpu.memory_space<vmem>>
        %dma_start3A_288 = arith.constant 0 : i32
        %dma_start3A_289 = tpu.memref_slice %arg4[%multiple_of3A_270, %dma_start3A_288] : memref<229376x128xf32, #tpu.memory_space<hbm>> -> memref<50x64xf32, #tpu.memory_space<hbm>>
        %dma_start3A_290 = arith.constant 0 : i32
        %dma_start3A_291 = tpu.memref_slice %arg4[%multiple_of3A_270, %dma_start3A_290] : memref<229376x128xf32, #tpu.memory_space<hbm>> -> memref<50x64xf32, #tpu.memory_space<hbm>>
        %dma_start3A_292 = arith.constant 350 : i32
        %dma_start3A_293 = arith.constant 0 : i32
        %dma_start3A_294 = tpu.memref_slice %arg6[%rem3A_193, %dma_start3A_292, %dma_start3A_293] : memref<2x400x64xf32, #tpu.memory_space<vmem>> -> memref<1x50x64xf32, #tpu.memory_space<vmem>>
        %dma_start3A_295 = tpu.memref_squeeze %dma_start3A_294 : memref<1x50x64xf32, #tpu.memory_space<vmem>> -> memref<50x64xf32, #tpu.memory_space<vmem>>
        tpu.enqueue_dma source(%dma_start3A_295 : memref<50x64xf32, #tpu.memory_space<vmem>>) target(%dma_start3A_291 : memref<50x64xf32, #tpu.memory_space<hbm>>) target_semaphore(%run_scoped3A_283 : memref<!tpu.dma_semaphore, #tpu.memory_space<semaphore_mem>>)
        %dma_wait3A_296 = arith.constant 350 : i32
        %dma_wait3A_297 = arith.constant 0 : i32
        %dma_wait3A_298 = tpu.memref_slice %arg6[%rem3A_193, %dma_wait3A_296, %dma_wait3A_297] : memref<2x400x64xf32, #tpu.memory_space<vmem>> -> memref<1x50x64xf32, #tpu.memory_space<vmem>>
        %dma_wait3A_299 = tpu.memref_squeeze %dma_wait3A_298 : memref<1x50x64xf32, #tpu.memory_space<vmem>> -> memref<50x64xf32, #tpu.memory_space<vmem>>
        %dma_wait3A_300 = arith.constant 0 : i32
        %dma_wait3A_301 = tpu.memref_slice %arg4[%multiple_of3A_270, %dma_wait3A_300] : memref<229376x128xf32, #tpu.memory_space<hbm>> -> memref<50x64xf32, #tpu.memory_space<hbm>>
        %dma_wait3A_302 = arith.constant 0 : i32
        %dma_wait3A_303 = tpu.memref_slice %arg4[%multiple_of3A_270, %dma_wait3A_302] : memref<229376x128xf32, #tpu.memory_space<hbm>> -> memref<50x64xf32, #tpu.memory_space<hbm>>
        %dma_wait3A_304 = arith.constant 350 : i32
        %dma_wait3A_305 = arith.constant 0 : i32
        %dma_wait3A_306 = tpu.memref_slice %arg6[%rem3A_193, %dma_wait3A_304, %dma_wait3A_305] : memref<2x400x64xf32, #tpu.memory_space<vmem>> -> memref<1x50x64xf32, #tpu.memory_space<vmem>>
        %dma_wait3A_307 = tpu.memref_squeeze %dma_wait3A_306 : memref<1x50x64xf32, #tpu.memory_space<vmem>> -> memref<50x64xf32, #tpu.memory_space<vmem>>
        tpu.wait_dma2 semaphore(%run_scoped3A_283 : memref<!tpu.dma_semaphore, #tpu.memory_space<semaphore_mem>>) src(%dma_wait3A_307 : memref<50x64xf32, #tpu.memory_space<vmem>>) dst(%dma_wait3A_303 : memref<50x64xf32, #tpu.memory_space<hbm>>)
        tpu.yield
      }) : () -> ()
      %add3A_271 = arith.constant 2 : i32
      %add3A_272 = arith.addi %scan3A_191, %add3A_271 : i32
      %dma_start3A_273 = arith.constant 0 : i32
      %dma_start3A_274 = arith.constant 0 : i32
      %dma_start3A_275 = tpu.memref_slice %arg6[%rem3A_193, %dma_start3A_273, %dma_start3A_274] : memref<2x400x64xf32, #tpu.memory_space<vmem>> -> memref<1x400x64xf32, #tpu.memory_space<vmem>>
      %dma_start3A_276 = tpu.memref_squeeze %dma_start3A_275 : memref<1x400x64xf32, #tpu.memory_space<vmem>> -> memref<400x64xf32, #tpu.memory_space<vmem>>
      %dma_start3A_277 = arith.constant 0 : i32
      %dma_start3A_278 = tpu.memref_slice %arg5[%add3A_272, %dma_start3A_277] : memref<16x400xi32, #tpu.memory_space<vmem>> -> memref<1x400xi32, #tpu.memory_space<vmem>>
      %dma_start3A_279 = tpu.memref_squeeze %dma_start3A_278 : memref<1x400xi32, #tpu.memory_space<vmem>> -> memref<400xi32, #tpu.memory_space<vmem>>
      %dma_start3A_280 = arith.constant 0 : i32
      %dma_start3A_281 = arith.constant 0 : i32
      %dma_start3A_282 = tpu.memref_slice %arg2[%dma_start3A_280, %dma_start3A_281] : memref<1000000x64xf32, #tpu.memory_space<hbm>> -> memref<1000000x64xf32, #tpu.memory_space<hbm>>
      tpu.enqueue_indirect_dma source(%dma_start3A_282 : memref<1000000x64xf32, #tpu.memory_space<hbm>>) target(%dma_start3A_276 : memref<400x64xf32, #tpu.memory_space<vmem>>) offsets(%dma_start3A_279 : memref<400xi32, #tpu.memory_space<vmem>>) semaphore(%arg7 : memref<!tpu.dma_semaphore, #tpu.memory_space<semaphore_mem>>)
    }
    %scan3A_29 = arith.constant 14 : i32
    %dma_wait3A = arith.constant 14 : i32
    %dma_wait3A_30 = arith.constant 0 : i32
    %dma_wait3A_31 = arith.constant 0 : i32
    %dma_wait3A_32 = arith.constant 0 : i32
    %dma_wait3A_33 = tpu.memref_slice %arg6[%dma_wait3A_30, %dma_wait3A_31, %dma_wait3A_32] : memref<2x400x64xf32, #tpu.memory_space<vmem>> -> memref<1x400x64xf32, #tpu.memory_space<vmem>>
    %dma_wait3A_34 = tpu.memref_squeeze %dma_wait3A_33 : memref<1x400x64xf32, #tpu.memory_space<vmem>> -> memref<400x64xf32, #tpu.memory_space<vmem>>
    %dma_wait3A_35 = arith.constant 0 : i32
    %dma_wait3A_36 = tpu.memref_slice %arg5[%dma_wait3A, %dma_wait3A_35] : memref<16x400xi32, #tpu.memory_space<vmem>> -> memref<1x400xi32, #tpu.memory_space<vmem>>
    %dma_wait3A_37 = tpu.memref_squeeze %dma_wait3A_36 : memref<1x400xi32, #tpu.memory_space<vmem>> -> memref<400xi32, #tpu.memory_space<vmem>>
    %dma_wait3A_38 = arith.constant 0 : i32
    %dma_wait3A_39 = arith.constant 0 : i32
    %dma_wait3A_40 = tpu.memref_slice %arg2[%dma_wait3A_38, %dma_wait3A_39] : memref<1000000x64xf32, #tpu.memory_space<hbm>> -> memref<1000000x64xf32, #tpu.memory_space<hbm>>
    tpu.wait_indirect_dma semaphore(%arg7 : memref<!tpu.dma_semaphore, #tpu.memory_space<semaphore_mem>>) src(%dma_wait3A_40 : memref<1000000x64xf32, #tpu.memory_space<hbm>>) dst(%dma_wait3A_34 : memref<400x64xf32, #tpu.memory_space<vmem>>)
    %add3A_41 = arith.constant 5600 : i32
    %add3A_42 = arith.addi %mul3A_2, %add3A_41 : i32
    %jit3A = arith.constant 50 : i32
    %div3A = arith.divsi %add3A_42, %jit3A : i32
    %sign3A = arith.constant 0 : i32
    %sign3A_43 = arith.cmpi sgt, %add3A_42, %sign3A : i32
    %sign3A_44 = arith.extui %sign3A_43 : i1 to i32
    %sign3A_45 = arith.constant 0 : i32
    %sign3A_46 = arith.cmpi slt, %add3A_42, %sign3A_45 : i32
    %sign3A_47 = arith.extui %sign3A_46 : i1 to i32
    %sign3A_48 = arith.subi %sign3A_44, %sign3A_47 : i32
    %sign3A_49 = arith.constant 0 : i32
    %sign3A_50 = arith.cmpi sgt, %jit3A, %sign3A_49 : i32
    %sign3A_51 = arith.extui %sign3A_50 : i1 to i32
    %sign3A_52 = arith.constant 0 : i32
    %sign3A_53 = arith.cmpi slt, %jit3A, %sign3A_52 : i32
    %sign3A_54 = arith.extui %sign3A_53 : i1 to i32
    %sign3A_55 = arith.subi %sign3A_51, %sign3A_54 : i32
    %ne3A = arith.cmpi ne, %sign3A_48, %sign3A_55 : i32
    %rem3A = arith.remsi %add3A_42, %jit3A : i32
    %ne3A_56 = arith.constant 0 : i32
    %ne3A_57 = arith.cmpi ne, %rem3A, %ne3A_56 : i32
    %and3A = arith.andi %ne3A, %ne3A_57 : i1
    %sub3A = arith.constant 1 : i32
    %sub3A_58 = arith.subi %div3A, %sub3A : i32
    %select_n3A = arith.select %and3A, %sub3A_58, %div3A : i32
    %add3A_59 = arith.constant 0 : i32
    %add3A_60 = arith.addi %select_n3A, %add3A_59 : i32
    %mul3A_61 = arith.constant 56 : i32
    %mul3A_62 = arith.muli %add3A_60, %mul3A_61 : i32
    %multiple_of3A = tpu.assume_multiple %mul3A_62, 8 : i32
    %run_scoped3A = arith.constant 0 : i32
    "tpu.region"() ({
      %run_scoped3A_191 = tpu.sem_alloc : memref<!tpu.dma_semaphore, #tpu.memory_space<semaphore_mem>>
      %dma_start3A_192 = arith.constant 0 : i32
      %dma_start3A_193 = arith.constant 0 : i32
      %dma_start3A_194 = tpu.memref_slice %arg6[%run_scoped3A, %dma_start3A_192, %dma_start3A_193] : memref<2x400x64xf32, #tpu.memory_space<vmem>> -> memref<1x50x64xf32, #tpu.memory_space<vmem>>
      %dma_start3A_195 = tpu.memref_squeeze %dma_start3A_194 : memref<1x50x64xf32, #tpu.memory_space<vmem>> -> memref<50x64xf32, #tpu.memory_space<vmem>>
      %dma_start3A_196 = arith.constant 0 : i32
      %dma_start3A_197 = tpu.memref_slice %arg4[%multiple_of3A, %dma_start3A_196] : memref<229376x128xf32, #tpu.memory_space<hbm>> -> memref<50x64xf32, #tpu.memory_space<hbm>>
      %dma_start3A_198 = arith.constant 0 : i32
      %dma_start3A_199 = tpu.memref_slice %arg4[%multiple_of3A, %dma_start3A_198] : memref<229376x128xf32, #tpu.memory_space<hbm>> -> memref<50x64xf32, #tpu.memory_space<hbm>>
      %dma_start3A_200 = arith.constant 0 : i32
      %dma_start3A_201 = arith.constant 0 : i32
      %dma_start3A_202 = tpu.memref_slice %arg6[%run_scoped3A, %dma_start3A_200, %dma_start3A_201] : memref<2x400x64xf32, #tpu.memory_space<vmem>> -> memref<1x50x64xf32, #tpu.memory_space<vmem>>
      %dma_start3A_203 = tpu.memref_squeeze %dma_start3A_202 : memref<1x50x64xf32, #tpu.memory_space<vmem>> -> memref<50x64xf32, #tpu.memory_space<vmem>>
      tpu.enqueue_dma source(%dma_start3A_203 : memref<50x64xf32, #tpu.memory_space<vmem>>) target(%dma_start3A_199 : memref<50x64xf32, #tpu.memory_space<hbm>>) target_semaphore(%run_scoped3A_191 : memref<!tpu.dma_semaphore, #tpu.memory_space<semaphore_mem>>)
      %dma_wait3A_204 = arith.constant 0 : i32
      %dma_wait3A_205 = arith.constant 0 : i32
      %dma_wait3A_206 = tpu.memref_slice %arg6[%run_scoped3A, %dma_wait3A_204, %dma_wait3A_205] : memref<2x400x64xf32, #tpu.memory_space<vmem>> -> memref<1x50x64xf32, #tpu.memory_space<vmem>>
      %dma_wait3A_207 = tpu.memref_squeeze %dma_wait3A_206 : memref<1x50x64xf32, #tpu.memory_space<vmem>> -> memref<50x64xf32, #tpu.memory_space<vmem>>
      %dma_wait3A_208 = arith.constant 0 : i32
      %dma_wait3A_209 = tpu.memref_slice %arg4[%multiple_of3A, %dma_wait3A_208] : memref<229376x128xf32, #tpu.memory_space<hbm>> -> memref<50x64xf32, #tpu.memory_space<hbm>>
      %dma_wait3A_210 = arith.constant 0 : i32
      %dma_wait3A_211 = tpu.memref_slice %arg4[%multiple_of3A, %dma_wait3A_210] : memref<229376x128xf32, #tpu.memory_space<hbm>> -> memref<50x64xf32, #tpu.memory_space<hbm>>
      %dma_wait3A_212 = arith.constant 0 : i32
      %dma_wait3A_213 = arith.constant 0 : i32
      %dma_wait3A_214 = tpu.memref_slice %arg6[%run_scoped3A, %dma_wait3A_212, %dma_wait3A_213] : memref<2x400x64xf32, #tpu.memory_space<vmem>> -> memref<1x50x64xf32, #tpu.memory_space<vmem>>
      %dma_wait3A_215 = tpu.memref_squeeze %dma_wait3A_214 : memref<1x50x64xf32, #tpu.memory_space<vmem>> -> memref<50x64xf32, #tpu.memory_space<vmem>>
      tpu.wait_dma2 semaphore(%run_scoped3A_191 : memref<!tpu.dma_semaphore, #tpu.memory_space<semaphore_mem>>) src(%dma_wait3A_215 : memref<50x64xf32, #tpu.memory_space<vmem>>) dst(%dma_wait3A_211 : memref<50x64xf32, #tpu.memory_space<hbm>>)
      tpu.yield
    }) : () -> ()
    %add3A_63 = arith.constant 1 : i32
    %add3A_64 = arith.addi %select_n3A, %add3A_63 : i32
    %mul3A_65 = arith.constant 56 : i32
    %mul3A_66 = arith.muli %add3A_64, %mul3A_65 : i32
    %multiple_of3A_67 = tpu.assume_multiple %mul3A_66, 8 : i32
    %run_scoped3A_68 = arith.constant 0 : i32
    "tpu.region"() ({
      %run_scoped3A_191 = tpu.sem_alloc : memref<!tpu.dma_semaphore, #tpu.memory_space<semaphore_mem>>
      %dma_start3A_192 = arith.constant 50 : i32
      %dma_start3A_193 = arith.constant 0 : i32
      %dma_start3A_194 = tpu.memref_slice %arg6[%run_scoped3A_68, %dma_start3A_192, %dma_start3A_193] : memref<2x400x64xf32, #tpu.memory_space<vmem>> -> memref<1x50x64xf32, #tpu.memory_space<vmem>>
      %dma_start3A_195 = tpu.memref_squeeze %dma_start3A_194 : memref<1x50x64xf32, #tpu.memory_space<vmem>> -> memref<50x64xf32, #tpu.memory_space<vmem>>
      %dma_start3A_196 = arith.constant 0 : i32
      %dma_start3A_197 = tpu.memref_slice %arg4[%multiple_of3A_67, %dma_start3A_196] : memref<229376x128xf32, #tpu.memory_space<hbm>> -> memref<50x64xf32, #tpu.memory_space<hbm>>
      %dma_start3A_198 = arith.constant 0 : i32
      %dma_start3A_199 = tpu.memref_slice %arg4[%multiple_of3A_67, %dma_start3A_198] : memref<229376x128xf32, #tpu.memory_space<hbm>> -> memref<50x64xf32, #tpu.memory_space<hbm>>
      %dma_start3A_200 = arith.constant 50 : i32
      %dma_start3A_201 = arith.constant 0 : i32
      %dma_start3A_202 = tpu.memref_slice %arg6[%run_scoped3A_68, %dma_start3A_200, %dma_start3A_201] : memref<2x400x64xf32, #tpu.memory_space<vmem>> -> memref<1x50x64xf32, #tpu.memory_space<vmem>>
      %dma_start3A_203 = tpu.memref_squeeze %dma_start3A_202 : memref<1x50x64xf32, #tpu.memory_space<vmem>> -> memref<50x64xf32, #tpu.memory_space<vmem>>
      tpu.enqueue_dma source(%dma_start3A_203 : memref<50x64xf32, #tpu.memory_space<vmem>>) target(%dma_start3A_199 : memref<50x64xf32, #tpu.memory_space<hbm>>) target_semaphore(%run_scoped3A_191 : memref<!tpu.dma_semaphore, #tpu.memory_space<semaphore_mem>>)
      %dma_wait3A_204 = arith.constant 50 : i32
      %dma_wait3A_205 = arith.constant 0 : i32
      %dma_wait3A_206 = tpu.memref_slice %arg6[%run_scoped3A_68, %dma_wait3A_204, %dma_wait3A_205] : memref<2x400x64xf32, #tpu.memory_space<vmem>> -> memref<1x50x64xf32, #tpu.memory_space<vmem>>
      %dma_wait3A_207 = tpu.memref_squeeze %dma_wait3A_206 : memref<1x50x64xf32, #tpu.memory_space<vmem>> -> memref<50x64xf32, #tpu.memory_space<vmem>>
      %dma_wait3A_208 = arith.constant 0 : i32
      %dma_wait3A_209 = tpu.memref_slice %arg4[%multiple_of3A_67, %dma_wait3A_208] : memref<229376x128xf32, #tpu.memory_space<hbm>> -> memref<50x64xf32, #tpu.memory_space<hbm>>
      %dma_wait3A_210 = arith.constant 0 : i32
      %dma_wait3A_211 = tpu.memref_slice %arg4[%multiple_of3A_67, %dma_wait3A_210] : memref<229376x128xf32, #tpu.memory_space<hbm>> -> memref<50x64xf32, #tpu.memory_space<hbm>>
      %dma_wait3A_212 = arith.constant 50 : i32
      %dma_wait3A_213 = arith.constant 0 : i32
      %dma_wait3A_214 = tpu.memref_slice %arg6[%run_scoped3A_68, %dma_wait3A_212, %dma_wait3A_213] : memref<2x400x64xf32, #tpu.memory_space<vmem>> -> memref<1x50x64xf32, #tpu.memory_space<vmem>>
      %dma_wait3A_215 = tpu.memref_squeeze %dma_wait3A_214 : memref<1x50x64xf32, #tpu.memory_space<vmem>> -> memref<50x64xf32, #tpu.memory_space<vmem>>
      tpu.wait_dma2 semaphore(%run_scoped3A_191 : memref<!tpu.dma_semaphore, #tpu.memory_space<semaphore_mem>>) src(%dma_wait3A_215 : memref<50x64xf32, #tpu.memory_space<vmem>>) dst(%dma_wait3A_211 : memref<50x64xf32, #tpu.memory_space<hbm>>)
      tpu.yield
    }) : () -> ()
    %add3A_69 = arith.constant 2 : i32
    %add3A_70 = arith.addi %select_n3A, %add3A_69 : i32
    %mul3A_71 = arith.constant 56 : i32
    %mul3A_72 = arith.muli %add3A_70, %mul3A_71 : i32
    %multiple_of3A_73 = tpu.assume_multiple %mul3A_72, 8 : i32
    %run_scoped3A_74 = arith.constant 0 : i32
    "tpu.region"() ({
      %run_scoped3A_191 = tpu.sem_alloc : memref<!tpu.dma_semaphore, #tpu.memory_space<semaphore_mem>>
      %dma_start3A_192 = arith.constant 100 : i32
      %dma_start3A_193 = arith.constant 0 : i32
      %dma_start3A_194 = tpu.memref_slice %arg6[%run_scoped3A_74, %dma_start3A_192, %dma_start3A_193] : memref<2x400x64xf32, #tpu.memory_space<vmem>> -> memref<1x50x64xf32, #tpu.memory_space<vmem>>
      %dma_start3A_195 = tpu.memref_squeeze %dma_start3A_194 : memref<1x50x64xf32, #tpu.memory_space<vmem>> -> memref<50x64xf32, #tpu.memory_space<vmem>>
      %dma_start3A_196 = arith.constant 0 : i32
      %dma_start3A_197 = tpu.memref_slice %arg4[%multiple_of3A_73, %dma_start3A_196] : memref<229376x128xf32, #tpu.memory_space<hbm>> -> memref<50x64xf32, #tpu.memory_space<hbm>>
      %dma_start3A_198 = arith.constant 0 : i32
      %dma_start3A_199 = tpu.memref_slice %arg4[%multiple_of3A_73, %dma_start3A_198] : memref<229376x128xf32, #tpu.memory_space<hbm>> -> memref<50x64xf32, #tpu.memory_space<hbm>>
      %dma_start3A_200 = arith.constant 100 : i32
      %dma_start3A_201 = arith.constant 0 : i32
      %dma_start3A_202 = tpu.memref_slice %arg6[%run_scoped3A_74, %dma_start3A_200, %dma_start3A_201] : memref<2x400x64xf32, #tpu.memory_space<vmem>> -> memref<1x50x64xf32, #tpu.memory_space<vmem>>
      %dma_start3A_203 = tpu.memref_squeeze %dma_start3A_202 : memref<1x50x64xf32, #tpu.memory_space<vmem>> -> memref<50x64xf32, #tpu.memory_space<vmem>>
      tpu.enqueue_dma source(%dma_start3A_203 : memref<50x64xf32, #tpu.memory_space<vmem>>) target(%dma_start3A_199 : memref<50x64xf32, #tpu.memory_space<hbm>>) target_semaphore(%run_scoped3A_191 : memref<!tpu.dma_semaphore, #tpu.memory_space<semaphore_mem>>)
      %dma_wait3A_204 = arith.constant 100 : i32
      %dma_wait3A_205 = arith.constant 0 : i32
      %dma_wait3A_206 = tpu.memref_slice %arg6[%run_scoped3A_74, %dma_wait3A_204, %dma_wait3A_205] : memref<2x400x64xf32, #tpu.memory_space<vmem>> -> memref<1x50x64xf32, #tpu.memory_space<vmem>>
      %dma_wait3A_207 = tpu.memref_squeeze %dma_wait3A_206 : memref<1x50x64xf32, #tpu.memory_space<vmem>> -> memref<50x64xf32, #tpu.memory_space<vmem>>
      %dma_wait3A_208 = arith.constant 0 : i32
      %dma_wait3A_209 = tpu.memref_slice %arg4[%multiple_of3A_73, %dma_wait3A_208] : memref<229376x128xf32, #tpu.memory_space<hbm>> -> memref<50x64xf32, #tpu.memory_space<hbm>>
      %dma_wait3A_210 = arith.constant 0 : i32
      %dma_wait3A_211 = tpu.memref_slice %arg4[%multiple_of3A_73, %dma_wait3A_210] : memref<229376x128xf32, #tpu.memory_space<hbm>> -> memref<50x64xf32, #tpu.memory_space<hbm>>
      %dma_wait3A_212 = arith.constant 100 : i32
      %dma_wait3A_213 = arith.constant 0 : i32
      %dma_wait3A_214 = tpu.memref_slice %arg6[%run_scoped3A_74, %dma_wait3A_212, %dma_wait3A_213] : memref<2x400x64xf32, #tpu.memory_space<vmem>> -> memref<1x50x64xf32, #tpu.memory_space<vmem>>
      %dma_wait3A_215 = tpu.memref_squeeze %dma_wait3A_214 : memref<1x50x64xf32, #tpu.memory_space<vmem>> -> memref<50x64xf32, #tpu.memory_space<vmem>>
      tpu.wait_dma2 semaphore(%run_scoped3A_191 : memref<!tpu.dma_semaphore, #tpu.memory_space<semaphore_mem>>) src(%dma_wait3A_215 : memref<50x64xf32, #tpu.memory_space<vmem>>) dst(%dma_wait3A_211 : memref<50x64xf32, #tpu.memory_space<hbm>>)
      tpu.yield
    }) : () -> ()
    %add3A_75 = arith.constant 3 : i32
    %add3A_76 = arith.addi %select_n3A, %add3A_75 : i32
    %mul3A_77 = arith.constant 56 : i32
    %mul3A_78 = arith.muli %add3A_76, %mul3A_77 : i32
    %multiple_of3A_79 = tpu.assume_multiple %mul3A_78, 8 : i32
    %run_scoped3A_80 = arith.constant 0 : i32
    "tpu.region"() ({
      %run_scoped3A_191 = tpu.sem_alloc : memref<!tpu.dma_semaphore, #tpu.memory_space<semaphore_mem>>
      %dma_start3A_192 = arith.constant 150 : i32
      %dma_start3A_193 = arith.constant 0 : i32
      %dma_start3A_194 = tpu.memref_slice %arg6[%run_scoped3A_80, %dma_start3A_192, %dma_start3A_193] : memref<2x400x64xf32, #tpu.memory_space<vmem>> -> memref<1x50x64xf32, #tpu.memory_space<vmem>>
      %dma_start3A_195 = tpu.memref_squeeze %dma_start3A_194 : memref<1x50x64xf32, #tpu.memory_space<vmem>> -> memref<50x64xf32, #tpu.memory_space<vmem>>
      %dma_start3A_196 = arith.constant 0 : i32
      %dma_start3A_197 = tpu.memref_slice %arg4[%multiple_of3A_79, %dma_start3A_196] : memref<229376x128xf32, #tpu.memory_space<hbm>> -> memref<50x64xf32, #tpu.memory_space<hbm>>
      %dma_start3A_198 = arith.constant 0 : i32
      %dma_start3A_199 = tpu.memref_slice %arg4[%multiple_of3A_79, %dma_start3A_198] : memref<229376x128xf32, #tpu.memory_space<hbm>> -> memref<50x64xf32, #tpu.memory_space<hbm>>
      %dma_start3A_200 = arith.constant 150 : i32
      %dma_start3A_201 = arith.constant 0 : i32
      %dma_start3A_202 = tpu.memref_slice %arg6[%run_scoped3A_80, %dma_start3A_200, %dma_start3A_201] : memref<2x400x64xf32, #tpu.memory_space<vmem>> -> memref<1x50x64xf32, #tpu.memory_space<vmem>>
      %dma_start3A_203 = tpu.memref_squeeze %dma_start3A_202 : memref<1x50x64xf32, #tpu.memory_space<vmem>> -> memref<50x64xf32, #tpu.memory_space<vmem>>
      tpu.enqueue_dma source(%dma_start3A_203 : memref<50x64xf32, #tpu.memory_space<vmem>>) target(%dma_start3A_199 : memref<50x64xf32, #tpu.memory_space<hbm>>) target_semaphore(%run_scoped3A_191 : memref<!tpu.dma_semaphore, #tpu.memory_space<semaphore_mem>>)
      %dma_wait3A_204 = arith.constant 150 : i32
      %dma_wait3A_205 = arith.constant 0 : i32
      %dma_wait3A_206 = tpu.memref_slice %arg6[%run_scoped3A_80, %dma_wait3A_204, %dma_wait3A_205] : memref<2x400x64xf32, #tpu.memory_space<vmem>> -> memref<1x50x64xf32, #tpu.memory_space<vmem>>
      %dma_wait3A_207 = tpu.memref_squeeze %dma_wait3A_206 : memref<1x50x64xf32, #tpu.memory_space<vmem>> -> memref<50x64xf32, #tpu.memory_space<vmem>>
      %dma_wait3A_208 = arith.constant 0 : i32
      %dma_wait3A_209 = tpu.memref_slice %arg4[%multiple_of3A_79, %dma_wait3A_208] : memref<229376x128xf32, #tpu.memory_space<hbm>> -> memref<50x64xf32, #tpu.memory_space<hbm>>
      %dma_wait3A_210 = arith.constant 0 : i32
      %dma_wait3A_211 = tpu.memref_slice %arg4[%multiple_of3A_79, %dma_wait3A_210] : memref<229376x128xf32, #tpu.memory_space<hbm>> -> memref<50x64xf32, #tpu.memory_space<hbm>>
      %dma_wait3A_212 = arith.constant 150 : i32
      %dma_wait3A_213 = arith.constant 0 : i32
      %dma_wait3A_214 = tpu.memref_slice %arg6[%run_scoped3A_80, %dma_wait3A_212, %dma_wait3A_213] : memref<2x400x64xf32, #tpu.memory_space<vmem>> -> memref<1x50x64xf32, #tpu.memory_space<vmem>>
      %dma_wait3A_215 = tpu.memref_squeeze %dma_wait3A_214 : memref<1x50x64xf32, #tpu.memory_space<vmem>> -> memref<50x64xf32, #tpu.memory_space<vmem>>
      tpu.wait_dma2 semaphore(%run_scoped3A_191 : memref<!tpu.dma_semaphore, #tpu.memory_space<semaphore_mem>>) src(%dma_wait3A_215 : memref<50x64xf32, #tpu.memory_space<vmem>>) dst(%dma_wait3A_211 : memref<50x64xf32, #tpu.memory_space<hbm>>)
      tpu.yield
    }) : () -> ()
    %add3A_81 = arith.constant 4 : i32
    %add3A_82 = arith.addi %select_n3A, %add3A_81 : i32
    %mul3A_83 = arith.constant 56 : i32
    %mul3A_84 = arith.muli %add3A_82, %mul3A_83 : i32
    %multiple_of3A_85 = tpu.assume_multiple %mul3A_84, 8 : i32
    %run_scoped3A_86 = arith.constant 0 : i32
    "tpu.region"() ({
      %run_scoped3A_191 = tpu.sem_alloc : memref<!tpu.dma_semaphore, #tpu.memory_space<semaphore_mem>>
      %dma_start3A_192 = arith.constant 200 : i32
      %dma_start3A_193 = arith.constant 0 : i32
      %dma_start3A_194 = tpu.memref_slice %arg6[%run_scoped3A_86, %dma_start3A_192, %dma_start3A_193] : memref<2x400x64xf32, #tpu.memory_space<vmem>> -> memref<1x50x64xf32, #tpu.memory_space<vmem>>
      %dma_start3A_195 = tpu.memref_squeeze %dma_start3A_194 : memref<1x50x64xf32, #tpu.memory_space<vmem>> -> memref<50x64xf32, #tpu.memory_space<vmem>>
      %dma_start3A_196 = arith.constant 0 : i32
      %dma_start3A_197 = tpu.memref_slice %arg4[%multiple_of3A_85, %dma_start3A_196] : memref<229376x128xf32, #tpu.memory_space<hbm>> -> memref<50x64xf32, #tpu.memory_space<hbm>>
      %dma_start3A_198 = arith.constant 0 : i32
      %dma_start3A_199 = tpu.memref_slice %arg4[%multiple_of3A_85, %dma_start3A_198] : memref<229376x128xf32, #tpu.memory_space<hbm>> -> memref<50x64xf32, #tpu.memory_space<hbm>>
      %dma_start3A_200 = arith.constant 200 : i32
      %dma_start3A_201 = arith.constant 0 : i32
      %dma_start3A_202 = tpu.memref_slice %arg6[%run_scoped3A_86, %dma_start3A_200, %dma_start3A_201] : memref<2x400x64xf32, #tpu.memory_space<vmem>> -> memref<1x50x64xf32, #tpu.memory_space<vmem>>
      %dma_start3A_203 = tpu.memref_squeeze %dma_start3A_202 : memref<1x50x64xf32, #tpu.memory_space<vmem>> -> memref<50x64xf32, #tpu.memory_space<vmem>>
      tpu.enqueue_dma source(%dma_start3A_203 : memref<50x64xf32, #tpu.memory_space<vmem>>) target(%dma_start3A_199 : memref<50x64xf32, #tpu.memory_space<hbm>>) target_semaphore(%run_scoped3A_191 : memref<!tpu.dma_semaphore, #tpu.memory_space<semaphore_mem>>)
      %dma_wait3A_204 = arith.constant 200 : i32
      %dma_wait3A_205 = arith.constant 0 : i32
      %dma_wait3A_206 = tpu.memref_slice %arg6[%run_scoped3A_86, %dma_wait3A_204, %dma_wait3A_205] : memref<2x400x64xf32, #tpu.memory_space<vmem>> -> memref<1x50x64xf32, #tpu.memory_space<vmem>>
      %dma_wait3A_207 = tpu.memref_squeeze %dma_wait3A_206 : memref<1x50x64xf32, #tpu.memory_space<vmem>> -> memref<50x64xf32, #tpu.memory_space<vmem>>
      %dma_wait3A_208 = arith.constant 0 : i32
      %dma_wait3A_209 = tpu.memref_slice %arg4[%multiple_of3A_85, %dma_wait3A_208] : memref<229376x128xf32, #tpu.memory_space<hbm>> -> memref<50x64xf32, #tpu.memory_space<hbm>>
      %dma_wait3A_210 = arith.constant 0 : i32
      %dma_wait3A_211 = tpu.memref_slice %arg4[%multiple_of3A_85, %dma_wait3A_210] : memref<229376x128xf32, #tpu.memory_space<hbm>> -> memref<50x64xf32, #tpu.memory_space<hbm>>
      %dma_wait3A_212 = arith.constant 200 : i32
      %dma_wait3A_213 = arith.constant 0 : i32
      %dma_wait3A_214 = tpu.memref_slice %arg6[%run_scoped3A_86, %dma_wait3A_212, %dma_wait3A_213] : memref<2x400x64xf32, #tpu.memory_space<vmem>> -> memref<1x50x64xf32, #tpu.memory_space<vmem>>
      %dma_wait3A_215 = tpu.memref_squeeze %dma_wait3A_214 : memref<1x50x64xf32, #tpu.memory_space<vmem>> -> memref<50x64xf32, #tpu.memory_space<vmem>>
      tpu.wait_dma2 semaphore(%run_scoped3A_191 : memref<!tpu.dma_semaphore, #tpu.memory_space<semaphore_mem>>) src(%dma_wait3A_215 : memref<50x64xf32, #tpu.memory_space<vmem>>) dst(%dma_wait3A_211 : memref<50x64xf32, #tpu.memory_space<hbm>>)
      tpu.yield
    }) : () -> ()
    %add3A_87 = arith.constant 5 : i32
    %add3A_88 = arith.addi %select_n3A, %add3A_87 : i32
    %mul3A_89 = arith.constant 56 : i32
    %mul3A_90 = arith.muli %add3A_88, %mul3A_89 : i32
    %multiple_of3A_91 = tpu.assume_multiple %mul3A_90, 8 : i32
    %run_scoped3A_92 = arith.constant 0 : i32
    "tpu.region"() ({
      %run_scoped3A_191 = tpu.sem_alloc : memref<!tpu.dma_semaphore, #tpu.memory_space<semaphore_mem>>
      %dma_start3A_192 = arith.constant 250 : i32
      %dma_start3A_193 = arith.constant 0 : i32
      %dma_start3A_194 = tpu.memref_slice %arg6[%run_scoped3A_92, %dma_start3A_192, %dma_start3A_193] : memref<2x400x64xf32, #tpu.memory_space<vmem>> -> memref<1x50x64xf32, #tpu.memory_space<vmem>>
      %dma_start3A_195 = tpu.memref_squeeze %dma_start3A_194 : memref<1x50x64xf32, #tpu.memory_space<vmem>> -> memref<50x64xf32, #tpu.memory_space<vmem>>
      %dma_start3A_196 = arith.constant 0 : i32
      %dma_start3A_197 = tpu.memref_slice %arg4[%multiple_of3A_91, %dma_start3A_196] : memref<229376x128xf32, #tpu.memory_space<hbm>> -> memref<50x64xf32, #tpu.memory_space<hbm>>
      %dma_start3A_198 = arith.constant 0 : i32
      %dma_start3A_199 = tpu.memref_slice %arg4[%multiple_of3A_91, %dma_start3A_198] : memref<229376x128xf32, #tpu.memory_space<hbm>> -> memref<50x64xf32, #tpu.memory_space<hbm>>
      %dma_start3A_200 = arith.constant 250 : i32
      %dma_start3A_201 = arith.constant 0 : i32
      %dma_start3A_202 = tpu.memref_slice %arg6[%run_scoped3A_92, %dma_start3A_200, %dma_start3A_201] : memref<2x400x64xf32, #tpu.memory_space<vmem>> -> memref<1x50x64xf32, #tpu.memory_space<vmem>>
      %dma_start3A_203 = tpu.memref_squeeze %dma_start3A_202 : memref<1x50x64xf32, #tpu.memory_space<vmem>> -> memref<50x64xf32, #tpu.memory_space<vmem>>
      tpu.enqueue_dma source(%dma_start3A_203 : memref<50x64xf32, #tpu.memory_space<vmem>>) target(%dma_start3A_199 : memref<50x64xf32, #tpu.memory_space<hbm>>) target_semaphore(%run_scoped3A_191 : memref<!tpu.dma_semaphore, #tpu.memory_space<semaphore_mem>>)
      %dma_wait3A_204 = arith.constant 250 : i32
      %dma_wait3A_205 = arith.constant 0 : i32
      %dma_wait3A_206 = tpu.memref_slice %arg6[%run_scoped3A_92, %dma_wait3A_204, %dma_wait3A_205] : memref<2x400x64xf32, #tpu.memory_space<vmem>> -> memref<1x50x64xf32, #tpu.memory_space<vmem>>
      %dma_wait3A_207 = tpu.memref_squeeze %dma_wait3A_206 : memref<1x50x64xf32, #tpu.memory_space<vmem>> -> memref<50x64xf32, #tpu.memory_space<vmem>>
      %dma_wait3A_208 = arith.constant 0 : i32
      %dma_wait3A_209 = tpu.memref_slice %arg4[%multiple_of3A_91, %dma_wait3A_208] : memref<229376x128xf32, #tpu.memory_space<hbm>> -> memref<50x64xf32, #tpu.memory_space<hbm>>
      %dma_wait3A_210 = arith.constant 0 : i32
      %dma_wait3A_211 = tpu.memref_slice %arg4[%multiple_of3A_91, %dma_wait3A_210] : memref<229376x128xf32, #tpu.memory_space<hbm>> -> memref<50x64xf32, #tpu.memory_space<hbm>>
      %dma_wait3A_212 = arith.constant 250 : i32
      %dma_wait3A_213 = arith.constant 0 : i32
      %dma_wait3A_214 = tpu.memref_slice %arg6[%run_scoped3A_92, %dma_wait3A_212, %dma_wait3A_213] : memref<2x400x64xf32, #tpu.memory_space<vmem>> -> memref<1x50x64xf32, #tpu.memory_space<vmem>>
      %dma_wait3A_215 = tpu.memref_squeeze %dma_wait3A_214 : memref<1x50x64xf32, #tpu.memory_space<vmem>> -> memref<50x64xf32, #tpu.memory_space<vmem>>
      tpu.wait_dma2 semaphore(%run_scoped3A_191 : memref<!tpu.dma_semaphore, #tpu.memory_space<semaphore_mem>>) src(%dma_wait3A_215 : memref<50x64xf32, #tpu.memory_space<vmem>>) dst(%dma_wait3A_211 : memref<50x64xf32, #tpu.memory_space<hbm>>)
      tpu.yield
    }) : () -> ()
    %add3A_93 = arith.constant 6 : i32
    %add3A_94 = arith.addi %select_n3A, %add3A_93 : i32
    %mul3A_95 = arith.constant 56 : i32
    %mul3A_96 = arith.muli %add3A_94, %mul3A_95 : i32
    %multiple_of3A_97 = tpu.assume_multiple %mul3A_96, 8 : i32
    %run_scoped3A_98 = arith.constant 0 : i32
    "tpu.region"() ({
      %run_scoped3A_191 = tpu.sem_alloc : memref<!tpu.dma_semaphore, #tpu.memory_space<semaphore_mem>>
      %dma_start3A_192 = arith.constant 300 : i32
      %dma_start3A_193 = arith.constant 0 : i32
      %dma_start3A_194 = tpu.memref_slice %arg6[%run_scoped3A_98, %dma_start3A_192, %dma_start3A_193] : memref<2x400x64xf32, #tpu.memory_space<vmem>> -> memref<1x50x64xf32, #tpu.memory_space<vmem>>
      %dma_start3A_195 = tpu.memref_squeeze %dma_start3A_194 : memref<1x50x64xf32, #tpu.memory_space<vmem>> -> memref<50x64xf32, #tpu.memory_space<vmem>>
      %dma_start3A_196 = arith.constant 0 : i32
      %dma_start3A_197 = tpu.memref_slice %arg4[%multiple_of3A_97, %dma_start3A_196] : memref<229376x128xf32, #tpu.memory_space<hbm>> -> memref<50x64xf32, #tpu.memory_space<hbm>>
      %dma_start3A_198 = arith.constant 0 : i32
      %dma_start3A_199 = tpu.memref_slice %arg4[%multiple_of3A_97, %dma_start3A_198] : memref<229376x128xf32, #tpu.memory_space<hbm>> -> memref<50x64xf32, #tpu.memory_space<hbm>>
      %dma_start3A_200 = arith.constant 300 : i32
      %dma_start3A_201 = arith.constant 0 : i32
      %dma_start3A_202 = tpu.memref_slice %arg6[%run_scoped3A_98, %dma_start3A_200, %dma_start3A_201] : memref<2x400x64xf32, #tpu.memory_space<vmem>> -> memref<1x50x64xf32, #tpu.memory_space<vmem>>
      %dma_start3A_203 = tpu.memref_squeeze %dma_start3A_202 : memref<1x50x64xf32, #tpu.memory_space<vmem>> -> memref<50x64xf32, #tpu.memory_space<vmem>>
      tpu.enqueue_dma source(%dma_start3A_203 : memref<50x64xf32, #tpu.memory_space<vmem>>) target(%dma_start3A_199 : memref<50x64xf32, #tpu.memory_space<hbm>>) target_semaphore(%run_scoped3A_191 : memref<!tpu.dma_semaphore, #tpu.memory_space<semaphore_mem>>)
      %dma_wait3A_204 = arith.constant 300 : i32
      %dma_wait3A_205 = arith.constant 0 : i32
      %dma_wait3A_206 = tpu.memref_slice %arg6[%run_scoped3A_98, %dma_wait3A_204, %dma_wait3A_205] : memref<2x400x64xf32, #tpu.memory_space<vmem>> -> memref<1x50x64xf32, #tpu.memory_space<vmem>>
      %dma_wait3A_207 = tpu.memref_squeeze %dma_wait3A_206 : memref<1x50x64xf32, #tpu.memory_space<vmem>> -> memref<50x64xf32, #tpu.memory_space<vmem>>
      %dma_wait3A_208 = arith.constant 0 : i32
      %dma_wait3A_209 = tpu.memref_slice %arg4[%multiple_of3A_97, %dma_wait3A_208] : memref<229376x128xf32, #tpu.memory_space<hbm>> -> memref<50x64xf32, #tpu.memory_space<hbm>>
      %dma_wait3A_210 = arith.constant 0 : i32
      %dma_wait3A_211 = tpu.memref_slice %arg4[%multiple_of3A_97, %dma_wait3A_210] : memref<229376x128xf32, #tpu.memory_space<hbm>> -> memref<50x64xf32, #tpu.memory_space<hbm>>
      %dma_wait3A_212 = arith.constant 300 : i32
      %dma_wait3A_213 = arith.constant 0 : i32
      %dma_wait3A_214 = tpu.memref_slice %arg6[%run_scoped3A_98, %dma_wait3A_212, %dma_wait3A_213] : memref<2x400x64xf32, #tpu.memory_space<vmem>> -> memref<1x50x64xf32, #tpu.memory_space<vmem>>
      %dma_wait3A_215 = tpu.memref_squeeze %dma_wait3A_214 : memref<1x50x64xf32, #tpu.memory_space<vmem>> -> memref<50x64xf32, #tpu.memory_space<vmem>>
      tpu.wait_dma2 semaphore(%run_scoped3A_191 : memref<!tpu.dma_semaphore, #tpu.memory_space<semaphore_mem>>) src(%dma_wait3A_215 : memref<50x64xf32, #tpu.memory_space<vmem>>) dst(%dma_wait3A_211 : memref<50x64xf32, #tpu.memory_space<hbm>>)
      tpu.yield
    }) : () -> ()
    %add3A_99 = arith.constant 7 : i32
    %add3A_100 = arith.addi %select_n3A, %add3A_99 : i32
    %mul3A_101 = arith.constant 56 : i32
    %mul3A_102 = arith.muli %add3A_100, %mul3A_101 : i32
    %multiple_of3A_103 = tpu.assume_multiple %mul3A_102, 8 : i32
    %run_scoped3A_104 = arith.constant 0 : i32
    "tpu.region"() ({
      %run_scoped3A_191 = tpu.sem_alloc : memref<!tpu.dma_semaphore, #tpu.memory_space<semaphore_mem>>
      %dma_start3A_192 = arith.constant 350 : i32
      %dma_start3A_193 = arith.constant 0 : i32
      %dma_start3A_194 = tpu.memref_slice %arg6[%run_scoped3A_104, %dma_start3A_192, %dma_start3A_193] : memref<2x400x64xf32, #tpu.memory_space<vmem>> -> memref<1x50x64xf32, #tpu.memory_space<vmem>>
      %dma_start3A_195 = tpu.memref_squeeze %dma_start3A_194 : memref<1x50x64xf32, #tpu.memory_space<vmem>> -> memref<50x64xf32, #tpu.memory_space<vmem>>
      %dma_start3A_196 = arith.constant 0 : i32
      %dma_start3A_197 = tpu.memref_slice %arg4[%multiple_of3A_103, %dma_start3A_196] : memref<229376x128xf32, #tpu.memory_space<hbm>> -> memref<50x64xf32, #tpu.memory_space<hbm>>
      %dma_start3A_198 = arith.constant 0 : i32
      %dma_start3A_199 = tpu.memref_slice %arg4[%multiple_of3A_103, %dma_start3A_198] : memref<229376x128xf32, #tpu.memory_space<hbm>> -> memref<50x64xf32, #tpu.memory_space<hbm>>
      %dma_start3A_200 = arith.constant 350 : i32
      %dma_start3A_201 = arith.constant 0 : i32
      %dma_start3A_202 = tpu.memref_slice %arg6[%run_scoped3A_104, %dma_start3A_200, %dma_start3A_201] : memref<2x400x64xf32, #tpu.memory_space<vmem>> -> memref<1x50x64xf32, #tpu.memory_space<vmem>>
      %dma_start3A_203 = tpu.memref_squeeze %dma_start3A_202 : memref<1x50x64xf32, #tpu.memory_space<vmem>> -> memref<50x64xf32, #tpu.memory_space<vmem>>
      tpu.enqueue_dma source(%dma_start3A_203 : memref<50x64xf32, #tpu.memory_space<vmem>>) target(%dma_start3A_199 : memref<50x64xf32, #tpu.memory_space<hbm>>) target_semaphore(%run_scoped3A_191 : memref<!tpu.dma_semaphore, #tpu.memory_space<semaphore_mem>>)
      %dma_wait3A_204 = arith.constant 350 : i32
      %dma_wait3A_205 = arith.constant 0 : i32
      %dma_wait3A_206 = tpu.memref_slice %arg6[%run_scoped3A_104, %dma_wait3A_204, %dma_wait3A_205] : memref<2x400x64xf32, #tpu.memory_space<vmem>> -> memref<1x50x64xf32, #tpu.memory_space<vmem>>
      %dma_wait3A_207 = tpu.memref_squeeze %dma_wait3A_206 : memref<1x50x64xf32, #tpu.memory_space<vmem>> -> memref<50x64xf32, #tpu.memory_space<vmem>>
      %dma_wait3A_208 = arith.constant 0 : i32
      %dma_wait3A_209 = tpu.memref_slice %arg4[%multiple_of3A_103, %dma_wait3A_208] : memref<229376x128xf32, #tpu.memory_space<hbm>> -> memref<50x64xf32, #tpu.memory_space<hbm>>
      %dma_wait3A_210 = arith.constant 0 : i32
      %dma_wait3A_211 = tpu.memref_slice %arg4[%multiple_of3A_103, %dma_wait3A_210] : memref<229376x128xf32, #tpu.memory_space<hbm>> -> memref<50x64xf32, #tpu.memory_space<hbm>>
      %dma_wait3A_212 = arith.constant 350 : i32
      %dma_wait3A_213 = arith.constant 0 : i32
      %dma_wait3A_214 = tpu.memref_slice %arg6[%run_scoped3A_104, %dma_wait3A_212, %dma_wait3A_213] : memref<2x400x64xf32, #tpu.memory_space<vmem>> -> memref<1x50x64xf32, #tpu.memory_space<vmem>>
      %dma_wait3A_215 = tpu.memref_squeeze %dma_wait3A_214 : memref<1x50x64xf32, #tpu.memory_space<vmem>> -> memref<50x64xf32, #tpu.memory_space<vmem>>
      tpu.wait_dma2 semaphore(%run_scoped3A_191 : memref<!tpu.dma_semaphore, #tpu.memory_space<semaphore_mem>>) src(%dma_wait3A_215 : memref<50x64xf32, #tpu.memory_space<vmem>>) dst(%dma_wait3A_211 : memref<50x64xf32, #tpu.memory_space<hbm>>)
      tpu.yield
    }) : () -> ()
    %dma_wait3A_105 = arith.constant 15 : i32
    %dma_wait3A_106 = arith.constant 1 : i32
    %dma_wait3A_107 = arith.constant 0 : i32
    %dma_wait3A_108 = arith.constant 0 : i32
    %dma_wait3A_109 = tpu.memref_slice %arg6[%dma_wait3A_106, %dma_wait3A_107, %dma_wait3A_108] : memref<2x400x64xf32, #tpu.memory_space<vmem>> -> memref<1x400x64xf32, #tpu.memory_space<vmem>>
    %dma_wait3A_110 = tpu.memref_squeeze %dma_wait3A_109 : memref<1x400x64xf32, #tpu.memory_space<vmem>> -> memref<400x64xf32, #tpu.memory_space<vmem>>
    %dma_wait3A_111 = arith.constant 0 : i32
    %dma_wait3A_112 = tpu.memref_slice %arg5[%dma_wait3A_105, %dma_wait3A_111] : memref<16x400xi32, #tpu.memory_space<vmem>> -> memref<1x400xi32, #tpu.memory_space<vmem>>
    %dma_wait3A_113 = tpu.memref_squeeze %dma_wait3A_112 : memref<1x400xi32, #tpu.memory_space<vmem>> -> memref<400xi32, #tpu.memory_space<vmem>>
    %dma_wait3A_114 = arith.constant 0 : i32
    %dma_wait3A_115 = arith.constant 0 : i32
    %dma_wait3A_116 = tpu.memref_slice %arg2[%dma_wait3A_114, %dma_wait3A_115] : memref<1000000x64xf32, #tpu.memory_space<hbm>> -> memref<1000000x64xf32, #tpu.memory_space<hbm>>
    tpu.wait_indirect_dma semaphore(%arg7 : memref<!tpu.dma_semaphore, #tpu.memory_space<semaphore_mem>>) src(%dma_wait3A_116 : memref<1000000x64xf32, #tpu.memory_space<hbm>>) dst(%dma_wait3A_110 : memref<400x64xf32, #tpu.memory_space<vmem>>)
    %add3A_117 = arith.constant 6000 : i32
    %add3A_118 = arith.addi %mul3A_2, %add3A_117 : i32
    %jit3A_119 = arith.constant 50 : i32
    %div3A_120 = arith.divsi %add3A_118, %jit3A_119 : i32
    %sign3A_121 = arith.constant 0 : i32
    %sign3A_122 = arith.cmpi sgt, %add3A_118, %sign3A_121 : i32
    %sign3A_123 = arith.extui %sign3A_122 : i1 to i32
    %sign3A_124 = arith.constant 0 : i32
    %sign3A_125 = arith.cmpi slt, %add3A_118, %sign3A_124 : i32
    %sign3A_126 = arith.extui %sign3A_125 : i1 to i32
    %sign3A_127 = arith.subi %sign3A_123, %sign3A_126 : i32
    %sign3A_128 = arith.constant 0 : i32
    %sign3A_129 = arith.cmpi sgt, %jit3A_119, %sign3A_128 : i32
    %sign3A_130 = arith.extui %sign3A_129 : i1 to i32
    %sign3A_131 = arith.constant 0 : i32
    %sign3A_132 = arith.cmpi slt, %jit3A_119, %sign3A_131 : i32
    %sign3A_133 = arith.extui %sign3A_132 : i1 to i32
    %sign3A_134 = arith.subi %sign3A_130, %sign3A_133 : i32
    %ne3A_135 = arith.cmpi ne, %sign3A_127, %sign3A_134 : i32
    %rem3A_136 = arith.remsi %add3A_118, %jit3A_119 : i32
    %ne3A_137 = arith.constant 0 : i32
    %ne3A_138 = arith.cmpi ne, %rem3A_136, %ne3A_137 : i32
    %and3A_139 = arith.andi %ne3A_135, %ne3A_138 : i1
    %sub3A_140 = arith.constant 1 : i32
    %sub3A_141 = arith.subi %div3A_120, %sub3A_140 : i32
    %select_n3A_142 = arith.select %and3A_139, %sub3A_141, %div3A_120 : i32
    %add3A_143 = arith.constant 0 : i32
    %add3A_144 = arith.addi %select_n3A_142, %add3A_143 : i32
    %mul3A_145 = arith.constant 56 : i32
    %mul3A_146 = arith.muli %add3A_144, %mul3A_145 : i32
    %multiple_of3A_147 = tpu.assume_multiple %mul3A_146, 8 : i32
    %run_scoped3A_148 = arith.constant 1 : i32
    "tpu.region"() ({
      %run_scoped3A_191 = tpu.sem_alloc : memref<!tpu.dma_semaphore, #tpu.memory_space<semaphore_mem>>
      %dma_start3A_192 = arith.constant 0 : i32
      %dma_start3A_193 = arith.constant 0 : i32
      %dma_start3A_194 = tpu.memref_slice %arg6[%run_scoped3A_148, %dma_start3A_192, %dma_start3A_193] : memref<2x400x64xf32, #tpu.memory_space<vmem>> -> memref<1x50x64xf32, #tpu.memory_space<vmem>>
      %dma_start3A_195 = tpu.memref_squeeze %dma_start3A_194 : memref<1x50x64xf32, #tpu.memory_space<vmem>> -> memref<50x64xf32, #tpu.memory_space<vmem>>
      %dma_start3A_196 = arith.constant 0 : i32
      %dma_start3A_197 = tpu.memref_slice %arg4[%multiple_of3A_147, %dma_start3A_196] : memref<229376x128xf32, #tpu.memory_space<hbm>> -> memref<50x64xf32, #tpu.memory_space<hbm>>
      %dma_start3A_198 = arith.constant 0 : i32
      %dma_start3A_199 = tpu.memref_slice %arg4[%multiple_of3A_147, %dma_start3A_198] : memref<229376x128xf32, #tpu.memory_space<hbm>> -> memref<50x64xf32, #tpu.memory_space<hbm>>
      %dma_start3A_200 = arith.constant 0 : i32
      %dma_start3A_201 = arith.constant 0 : i32
      %dma_start3A_202 = tpu.memref_slice %arg6[%run_scoped3A_148, %dma_start3A_200, %dma_start3A_201] : memref<2x400x64xf32, #tpu.memory_space<vmem>> -> memref<1x50x64xf32, #tpu.memory_space<vmem>>
      %dma_start3A_203 = tpu.memref_squeeze %dma_start3A_202 : memref<1x50x64xf32, #tpu.memory_space<vmem>> -> memref<50x64xf32, #tpu.memory_space<vmem>>
      tpu.enqueue_dma source(%dma_start3A_203 : memref<50x64xf32, #tpu.memory_space<vmem>>) target(%dma_start3A_199 : memref<50x64xf32, #tpu.memory_space<hbm>>) target_semaphore(%run_scoped3A_191 : memref<!tpu.dma_semaphore, #tpu.memory_space<semaphore_mem>>)
      %dma_wait3A_204 = arith.constant 0 : i32
      %dma_wait3A_205 = arith.constant 0 : i32
      %dma_wait3A_206 = tpu.memref_slice %arg6[%run_scoped3A_148, %dma_wait3A_204, %dma_wait3A_205] : memref<2x400x64xf32, #tpu.memory_space<vmem>> -> memref<1x50x64xf32, #tpu.memory_space<vmem>>
      %dma_wait3A_207 = tpu.memref_squeeze %dma_wait3A_206 : memref<1x50x64xf32, #tpu.memory_space<vmem>> -> memref<50x64xf32, #tpu.memory_space<vmem>>
      %dma_wait3A_208 = arith.constant 0 : i32
      %dma_wait3A_209 = tpu.memref_slice %arg4[%multiple_of3A_147, %dma_wait3A_208] : memref<229376x128xf32, #tpu.memory_space<hbm>> -> memref<50x64xf32, #tpu.memory_space<hbm>>
      %dma_wait3A_210 = arith.constant 0 : i32
      %dma_wait3A_211 = tpu.memref_slice %arg4[%multiple_of3A_147, %dma_wait3A_210] : memref<229376x128xf32, #tpu.memory_space<hbm>> -> memref<50x64xf32, #tpu.memory_space<hbm>>
      %dma_wait3A_212 = arith.constant 0 : i32
      %dma_wait3A_213 = arith.constant 0 : i32
      %dma_wait3A_214 = tpu.memref_slice %arg6[%run_scoped3A_148, %dma_wait3A_212, %dma_wait3A_213] : memref<2x400x64xf32, #tpu.memory_space<vmem>> -> memref<1x50x64xf32, #tpu.memory_space<vmem>>
      %dma_wait3A_215 = tpu.memref_squeeze %dma_wait3A_214 : memref<1x50x64xf32, #tpu.memory_space<vmem>> -> memref<50x64xf32, #tpu.memory_space<vmem>>
      tpu.wait_dma2 semaphore(%run_scoped3A_191 : memref<!tpu.dma_semaphore, #tpu.memory_space<semaphore_mem>>) src(%dma_wait3A_215 : memref<50x64xf32, #tpu.memory_space<vmem>>) dst(%dma_wait3A_211 : memref<50x64xf32, #tpu.memory_space<hbm>>)
      tpu.yield
    }) : () -> ()
    %add3A_149 = arith.constant 1 : i32
    %add3A_150 = arith.addi %select_n3A_142, %add3A_149 : i32
    %mul3A_151 = arith.constant 56 : i32
    %mul3A_152 = arith.muli %add3A_150, %mul3A_151 : i32
    %multiple_of3A_153 = tpu.assume_multiple %mul3A_152, 8 : i32
    %run_scoped3A_154 = arith.constant 1 : i32
    "tpu.region"() ({
      %run_scoped3A_191 = tpu.sem_alloc : memref<!tpu.dma_semaphore, #tpu.memory_space<semaphore_mem>>
      %dma_start3A_192 = arith.constant 50 : i32
      %dma_start3A_193 = arith.constant 0 : i32
      %dma_start3A_194 = tpu.memref_slice %arg6[%run_scoped3A_154, %dma_start3A_192, %dma_start3A_193] : memref<2x400x64xf32, #tpu.memory_space<vmem>> -> memref<1x50x64xf32, #tpu.memory_space<vmem>>
      %dma_start3A_195 = tpu.memref_squeeze %dma_start3A_194 : memref<1x50x64xf32, #tpu.memory_space<vmem>> -> memref<50x64xf32, #tpu.memory_space<vmem>>
      %dma_start3A_196 = arith.constant 0 : i32
      %dma_start3A_197 = tpu.memref_slice %arg4[%multiple_of3A_153, %dma_start3A_196] : memref<229376x128xf32, #tpu.memory_space<hbm>> -> memref<50x64xf32, #tpu.memory_space<hbm>>
      %dma_start3A_198 = arith.constant 0 : i32
      %dma_start3A_199 = tpu.memref_slice %arg4[%multiple_of3A_153, %dma_start3A_198] : memref<229376x128xf32, #tpu.memory_space<hbm>> -> memref<50x64xf32, #tpu.memory_space<hbm>>
      %dma_start3A_200 = arith.constant 50 : i32
      %dma_start3A_201 = arith.constant 0 : i32
      %dma_start3A_202 = tpu.memref_slice %arg6[%run_scoped3A_154, %dma_start3A_200, %dma_start3A_201] : memref<2x400x64xf32, #tpu.memory_space<vmem>> -> memref<1x50x64xf32, #tpu.memory_space<vmem>>
      %dma_start3A_203 = tpu.memref_squeeze %dma_start3A_202 : memref<1x50x64xf32, #tpu.memory_space<vmem>> -> memref<50x64xf32, #tpu.memory_space<vmem>>
      tpu.enqueue_dma source(%dma_start3A_203 : memref<50x64xf32, #tpu.memory_space<vmem>>) target(%dma_start3A_199 : memref<50x64xf32, #tpu.memory_space<hbm>>) target_semaphore(%run_scoped3A_191 : memref<!tpu.dma_semaphore, #tpu.memory_space<semaphore_mem>>)
      %dma_wait3A_204 = arith.constant 50 : i32
      %dma_wait3A_205 = arith.constant 0 : i32
      %dma_wait3A_206 = tpu.memref_slice %arg6[%run_scoped3A_154, %dma_wait3A_204, %dma_wait3A_205] : memref<2x400x64xf32, #tpu.memory_space<vmem>> -> memref<1x50x64xf32, #tpu.memory_space<vmem>>
      %dma_wait3A_207 = tpu.memref_squeeze %dma_wait3A_206 : memref<1x50x64xf32, #tpu.memory_space<vmem>> -> memref<50x64xf32, #tpu.memory_space<vmem>>
      %dma_wait3A_208 = arith.constant 0 : i32
      %dma_wait3A_209 = tpu.memref_slice %arg4[%multiple_of3A_153, %dma_wait3A_208] : memref<229376x128xf32, #tpu.memory_space<hbm>> -> memref<50x64xf32, #tpu.memory_space<hbm>>
      %dma_wait3A_210 = arith.constant 0 : i32
      %dma_wait3A_211 = tpu.memref_slice %arg4[%multiple_of3A_153, %dma_wait3A_210] : memref<229376x128xf32, #tpu.memory_space<hbm>> -> memref<50x64xf32, #tpu.memory_space<hbm>>
      %dma_wait3A_212 = arith.constant 50 : i32
      %dma_wait3A_213 = arith.constant 0 : i32
      %dma_wait3A_214 = tpu.memref_slice %arg6[%run_scoped3A_154, %dma_wait3A_212, %dma_wait3A_213] : memref<2x400x64xf32, #tpu.memory_space<vmem>> -> memref<1x50x64xf32, #tpu.memory_space<vmem>>
      %dma_wait3A_215 = tpu.memref_squeeze %dma_wait3A_214 : memref<1x50x64xf32, #tpu.memory_space<vmem>> -> memref<50x64xf32, #tpu.memory_space<vmem>>
      tpu.wait_dma2 semaphore(%run_scoped3A_191 : memref<!tpu.dma_semaphore, #tpu.memory_space<semaphore_mem>>) src(%dma_wait3A_215 : memref<50x64xf32, #tpu.memory_space<vmem>>) dst(%dma_wait3A_211 : memref<50x64xf32, #tpu.memory_space<hbm>>)
      tpu.yield
    }) : () -> ()
    %add3A_155 = arith.constant 2 : i32
    %add3A_156 = arith.addi %select_n3A_142, %add3A_155 : i32
    %mul3A_157 = arith.constant 56 : i32
    %mul3A_158 = arith.muli %add3A_156, %mul3A_157 : i32
    %multiple_of3A_159 = tpu.assume_multiple %mul3A_158, 8 : i32
    %run_scoped3A_160 = arith.constant 1 : i32
    "tpu.region"() ({
      %run_scoped3A_191 = tpu.sem_alloc : memref<!tpu.dma_semaphore, #tpu.memory_space<semaphore_mem>>
      %dma_start3A_192 = arith.constant 100 : i32
      %dma_start3A_193 = arith.constant 0 : i32
      %dma_start3A_194 = tpu.memref_slice %arg6[%run_scoped3A_160, %dma_start3A_192, %dma_start3A_193] : memref<2x400x64xf32, #tpu.memory_space<vmem>> -> memref<1x50x64xf32, #tpu.memory_space<vmem>>
      %dma_start3A_195 = tpu.memref_squeeze %dma_start3A_194 : memref<1x50x64xf32, #tpu.memory_space<vmem>> -> memref<50x64xf32, #tpu.memory_space<vmem>>
      %dma_start3A_196 = arith.constant 0 : i32
      %dma_start3A_197 = tpu.memref_slice %arg4[%multiple_of3A_159, %dma_start3A_196] : memref<229376x128xf32, #tpu.memory_space<hbm>> -> memref<50x64xf32, #tpu.memory_space<hbm>>
      %dma_start3A_198 = arith.constant 0 : i32
      %dma_start3A_199 = tpu.memref_slice %arg4[%multiple_of3A_159, %dma_start3A_198] : memref<229376x128xf32, #tpu.memory_space<hbm>> -> memref<50x64xf32, #tpu.memory_space<hbm>>
      %dma_start3A_200 = arith.constant 100 : i32
      %dma_start3A_201 = arith.constant 0 : i32
      %dma_start3A_202 = tpu.memref_slice %arg6[%run_scoped3A_160, %dma_start3A_200, %dma_start3A_201] : memref<2x400x64xf32, #tpu.memory_space<vmem>> -> memref<1x50x64xf32, #tpu.memory_space<vmem>>
      %dma_start3A_203 = tpu.memref_squeeze %dma_start3A_202 : memref<1x50x64xf32, #tpu.memory_space<vmem>> -> memref<50x64xf32, #tpu.memory_space<vmem>>
      tpu.enqueue_dma source(%dma_start3A_203 : memref<50x64xf32, #tpu.memory_space<vmem>>) target(%dma_start3A_199 : memref<50x64xf32, #tpu.memory_space<hbm>>) target_semaphore(%run_scoped3A_191 : memref<!tpu.dma_semaphore, #tpu.memory_space<semaphore_mem>>)
      %dma_wait3A_204 = arith.constant 100 : i32
      %dma_wait3A_205 = arith.constant 0 : i32
      %dma_wait3A_206 = tpu.memref_slice %arg6[%run_scoped3A_160, %dma_wait3A_204, %dma_wait3A_205] : memref<2x400x64xf32, #tpu.memory_space<vmem>> -> memref<1x50x64xf32, #tpu.memory_space<vmem>>
      %dma_wait3A_207 = tpu.memref_squeeze %dma_wait3A_206 : memref<1x50x64xf32, #tpu.memory_space<vmem>> -> memref<50x64xf32, #tpu.memory_space<vmem>>
      %dma_wait3A_208 = arith.constant 0 : i32
      %dma_wait3A_209 = tpu.memref_slice %arg4[%multiple_of3A_159, %dma_wait3A_208] : memref<229376x128xf32, #tpu.memory_space<hbm>> -> memref<50x64xf32, #tpu.memory_space<hbm>>
      %dma_wait3A_210 = arith.constant 0 : i32
      %dma_wait3A_211 = tpu.memref_slice %arg4[%multiple_of3A_159, %dma_wait3A_210] : memref<229376x128xf32, #tpu.memory_space<hbm>> -> memref<50x64xf32, #tpu.memory_space<hbm>>
      %dma_wait3A_212 = arith.constant 100 : i32
      %dma_wait3A_213 = arith.constant 0 : i32
      %dma_wait3A_214 = tpu.memref_slice %arg6[%run_scoped3A_160, %dma_wait3A_212, %dma_wait3A_213] : memref<2x400x64xf32, #tpu.memory_space<vmem>> -> memref<1x50x64xf32, #tpu.memory_space<vmem>>
      %dma_wait3A_215 = tpu.memref_squeeze %dma_wait3A_214 : memref<1x50x64xf32, #tpu.memory_space<vmem>> -> memref<50x64xf32, #tpu.memory_space<vmem>>
      tpu.wait_dma2 semaphore(%run_scoped3A_191 : memref<!tpu.dma_semaphore, #tpu.memory_space<semaphore_mem>>) src(%dma_wait3A_215 : memref<50x64xf32, #tpu.memory_space<vmem>>) dst(%dma_wait3A_211 : memref<50x64xf32, #tpu.memory_space<hbm>>)
      tpu.yield
    }) : () -> ()
    %add3A_161 = arith.constant 3 : i32
    %add3A_162 = arith.addi %select_n3A_142, %add3A_161 : i32
    %mul3A_163 = arith.constant 56 : i32
    %mul3A_164 = arith.muli %add3A_162, %mul3A_163 : i32
    %multiple_of3A_165 = tpu.assume_multiple %mul3A_164, 8 : i32
    %run_scoped3A_166 = arith.constant 1 : i32
    "tpu.region"() ({
      %run_scoped3A_191 = tpu.sem_alloc : memref<!tpu.dma_semaphore, #tpu.memory_space<semaphore_mem>>
      %dma_start3A_192 = arith.constant 150 : i32
      %dma_start3A_193 = arith.constant 0 : i32
      %dma_start3A_194 = tpu.memref_slice %arg6[%run_scoped3A_166, %dma_start3A_192, %dma_start3A_193] : memref<2x400x64xf32, #tpu.memory_space<vmem>> -> memref<1x50x64xf32, #tpu.memory_space<vmem>>
      %dma_start3A_195 = tpu.memref_squeeze %dma_start3A_194 : memref<1x50x64xf32, #tpu.memory_space<vmem>> -> memref<50x64xf32, #tpu.memory_space<vmem>>
      %dma_start3A_196 = arith.constant 0 : i32
      %dma_start3A_197 = tpu.memref_slice %arg4[%multiple_of3A_165, %dma_start3A_196] : memref<229376x128xf32, #tpu.memory_space<hbm>> -> memref<50x64xf32, #tpu.memory_space<hbm>>
      %dma_start3A_198 = arith.constant 0 : i32
      %dma_start3A_199 = tpu.memref_slice %arg4[%multiple_of3A_165, %dma_start3A_198] : memref<229376x128xf32, #tpu.memory_space<hbm>> -> memref<50x64xf32, #tpu.memory_space<hbm>>
      %dma_start3A_200 = arith.constant 150 : i32
      %dma_start3A_201 = arith.constant 0 : i32
      %dma_start3A_202 = tpu.memref_slice %arg6[%run_scoped3A_166, %dma_start3A_200, %dma_start3A_201] : memref<2x400x64xf32, #tpu.memory_space<vmem>> -> memref<1x50x64xf32, #tpu.memory_space<vmem>>
      %dma_start3A_203 = tpu.memref_squeeze %dma_start3A_202 : memref<1x50x64xf32, #tpu.memory_space<vmem>> -> memref<50x64xf32, #tpu.memory_space<vmem>>
      tpu.enqueue_dma source(%dma_start3A_203 : memref<50x64xf32, #tpu.memory_space<vmem>>) target(%dma_start3A_199 : memref<50x64xf32, #tpu.memory_space<hbm>>) target_semaphore(%run_scoped3A_191 : memref<!tpu.dma_semaphore, #tpu.memory_space<semaphore_mem>>)
      %dma_wait3A_204 = arith.constant 150 : i32
      %dma_wait3A_205 = arith.constant 0 : i32
      %dma_wait3A_206 = tpu.memref_slice %arg6[%run_scoped3A_166, %dma_wait3A_204, %dma_wait3A_205] : memref<2x400x64xf32, #tpu.memory_space<vmem>> -> memref<1x50x64xf32, #tpu.memory_space<vmem>>
      %dma_wait3A_207 = tpu.memref_squeeze %dma_wait3A_206 : memref<1x50x64xf32, #tpu.memory_space<vmem>> -> memref<50x64xf32, #tpu.memory_space<vmem>>
      %dma_wait3A_208 = arith.constant 0 : i32
      %dma_wait3A_209 = tpu.memref_slice %arg4[%multiple_of3A_165, %dma_wait3A_208] : memref<229376x128xf32, #tpu.memory_space<hbm>> -> memref<50x64xf32, #tpu.memory_space<hbm>>
      %dma_wait3A_210 = arith.constant 0 : i32
      %dma_wait3A_211 = tpu.memref_slice %arg4[%multiple_of3A_165, %dma_wait3A_210] : memref<229376x128xf32, #tpu.memory_space<hbm>> -> memref<50x64xf32, #tpu.memory_space<hbm>>
      %dma_wait3A_212 = arith.constant 150 : i32
      %dma_wait3A_213 = arith.constant 0 : i32
      %dma_wait3A_214 = tpu.memref_slice %arg6[%run_scoped3A_166, %dma_wait3A_212, %dma_wait3A_213] : memref<2x400x64xf32, #tpu.memory_space<vmem>> -> memref<1x50x64xf32, #tpu.memory_space<vmem>>
      %dma_wait3A_215 = tpu.memref_squeeze %dma_wait3A_214 : memref<1x50x64xf32, #tpu.memory_space<vmem>> -> memref<50x64xf32, #tpu.memory_space<vmem>>
      tpu.wait_dma2 semaphore(%run_scoped3A_191 : memref<!tpu.dma_semaphore, #tpu.memory_space<semaphore_mem>>) src(%dma_wait3A_215 : memref<50x64xf32, #tpu.memory_space<vmem>>) dst(%dma_wait3A_211 : memref<50x64xf32, #tpu.memory_space<hbm>>)
      tpu.yield
    }) : () -> ()
    %add3A_167 = arith.constant 4 : i32
    %add3A_168 = arith.addi %select_n3A_142, %add3A_167 : i32
    %mul3A_169 = arith.constant 56 : i32
    %mul3A_170 = arith.muli %add3A_168, %mul3A_169 : i32
    %multiple_of3A_171 = tpu.assume_multiple %mul3A_170, 8 : i32
    %run_scoped3A_172 = arith.constant 1 : i32
    "tpu.region"() ({
      %run_scoped3A_191 = tpu.sem_alloc : memref<!tpu.dma_semaphore, #tpu.memory_space<semaphore_mem>>
      %dma_start3A_192 = arith.constant 200 : i32
      %dma_start3A_193 = arith.constant 0 : i32
      %dma_start3A_194 = tpu.memref_slice %arg6[%run_scoped3A_172, %dma_start3A_192, %dma_start3A_193] : memref<2x400x64xf32, #tpu.memory_space<vmem>> -> memref<1x50x64xf32, #tpu.memory_space<vmem>>
      %dma_start3A_195 = tpu.memref_squeeze %dma_start3A_194 : memref<1x50x64xf32, #tpu.memory_space<vmem>> -> memref<50x64xf32, #tpu.memory_space<vmem>>
      %dma_start3A_196 = arith.constant 0 : i32
      %dma_start3A_197 = tpu.memref_slice %arg4[%multiple_of3A_171, %dma_start3A_196] : memref<229376x128xf32, #tpu.memory_space<hbm>> -> memref<50x64xf32, #tpu.memory_space<hbm>>
      %dma_start3A_198 = arith.constant 0 : i32
      %dma_start3A_199 = tpu.memref_slice %arg4[%multiple_of3A_171, %dma_start3A_198] : memref<229376x128xf32, #tpu.memory_space<hbm>> -> memref<50x64xf32, #tpu.memory_space<hbm>>
      %dma_start3A_200 = arith.constant 200 : i32
      %dma_start3A_201 = arith.constant 0 : i32
      %dma_start3A_202 = tpu.memref_slice %arg6[%run_scoped3A_172, %dma_start3A_200, %dma_start3A_201] : memref<2x400x64xf32, #tpu.memory_space<vmem>> -> memref<1x50x64xf32, #tpu.memory_space<vmem>>
      %dma_start3A_203 = tpu.memref_squeeze %dma_start3A_202 : memref<1x50x64xf32, #tpu.memory_space<vmem>> -> memref<50x64xf32, #tpu.memory_space<vmem>>
      tpu.enqueue_dma source(%dma_start3A_203 : memref<50x64xf32, #tpu.memory_space<vmem>>) target(%dma_start3A_199 : memref<50x64xf32, #tpu.memory_space<hbm>>) target_semaphore(%run_scoped3A_191 : memref<!tpu.dma_semaphore, #tpu.memory_space<semaphore_mem>>)
      %dma_wait3A_204 = arith.constant 200 : i32
      %dma_wait3A_205 = arith.constant 0 : i32
      %dma_wait3A_206 = tpu.memref_slice %arg6[%run_scoped3A_172, %dma_wait3A_204, %dma_wait3A_205] : memref<2x400x64xf32, #tpu.memory_space<vmem>> -> memref<1x50x64xf32, #tpu.memory_space<vmem>>
      %dma_wait3A_207 = tpu.memref_squeeze %dma_wait3A_206 : memref<1x50x64xf32, #tpu.memory_space<vmem>> -> memref<50x64xf32, #tpu.memory_space<vmem>>
      %dma_wait3A_208 = arith.constant 0 : i32
      %dma_wait3A_209 = tpu.memref_slice %arg4[%multiple_of3A_171, %dma_wait3A_208] : memref<229376x128xf32, #tpu.memory_space<hbm>> -> memref<50x64xf32, #tpu.memory_space<hbm>>
      %dma_wait3A_210 = arith.constant 0 : i32
      %dma_wait3A_211 = tpu.memref_slice %arg4[%multiple_of3A_171, %dma_wait3A_210] : memref<229376x128xf32, #tpu.memory_space<hbm>> -> memref<50x64xf32, #tpu.memory_space<hbm>>
      %dma_wait3A_212 = arith.constant 200 : i32
      %dma_wait3A_213 = arith.constant 0 : i32
      %dma_wait3A_214 = tpu.memref_slice %arg6[%run_scoped3A_172, %dma_wait3A_212, %dma_wait3A_213] : memref<2x400x64xf32, #tpu.memory_space<vmem>> -> memref<1x50x64xf32, #tpu.memory_space<vmem>>
      %dma_wait3A_215 = tpu.memref_squeeze %dma_wait3A_214 : memref<1x50x64xf32, #tpu.memory_space<vmem>> -> memref<50x64xf32, #tpu.memory_space<vmem>>
      tpu.wait_dma2 semaphore(%run_scoped3A_191 : memref<!tpu.dma_semaphore, #tpu.memory_space<semaphore_mem>>) src(%dma_wait3A_215 : memref<50x64xf32, #tpu.memory_space<vmem>>) dst(%dma_wait3A_211 : memref<50x64xf32, #tpu.memory_space<hbm>>)
      tpu.yield
    }) : () -> ()
    %add3A_173 = arith.constant 5 : i32
    %add3A_174 = arith.addi %select_n3A_142, %add3A_173 : i32
    %mul3A_175 = arith.constant 56 : i32
    %mul3A_176 = arith.muli %add3A_174, %mul3A_175 : i32
    %multiple_of3A_177 = tpu.assume_multiple %mul3A_176, 8 : i32
    %run_scoped3A_178 = arith.constant 1 : i32
    "tpu.region"() ({
      %run_scoped3A_191 = tpu.sem_alloc : memref<!tpu.dma_semaphore, #tpu.memory_space<semaphore_mem>>
      %dma_start3A_192 = arith.constant 250 : i32
      %dma_start3A_193 = arith.constant 0 : i32
      %dma_start3A_194 = tpu.memref_slice %arg6[%run_scoped3A_178, %dma_start3A_192, %dma_start3A_193] : memref<2x400x64xf32, #tpu.memory_space<vmem>> -> memref<1x50x64xf32, #tpu.memory_space<vmem>>
      %dma_start3A_195 = tpu.memref_squeeze %dma_start3A_194 : memref<1x50x64xf32, #tpu.memory_space<vmem>> -> memref<50x64xf32, #tpu.memory_space<vmem>>
      %dma_start3A_196 = arith.constant 0 : i32
      %dma_start3A_197 = tpu.memref_slice %arg4[%multiple_of3A_177, %dma_start3A_196] : memref<229376x128xf32, #tpu.memory_space<hbm>> -> memref<50x64xf32, #tpu.memory_space<hbm>>
      %dma_start3A_198 = arith.constant 0 : i32
      %dma_start3A_199 = tpu.memref_slice %arg4[%multiple_of3A_177, %dma_start3A_198] : memref<229376x128xf32, #tpu.memory_space<hbm>> -> memref<50x64xf32, #tpu.memory_space<hbm>>
      %dma_start3A_200 = arith.constant 250 : i32
      %dma_start3A_201 = arith.constant 0 : i32
      %dma_start3A_202 = tpu.memref_slice %arg6[%run_scoped3A_178, %dma_start3A_200, %dma_start3A_201] : memref<2x400x64xf32, #tpu.memory_space<vmem>> -> memref<1x50x64xf32, #tpu.memory_space<vmem>>
      %dma_start3A_203 = tpu.memref_squeeze %dma_start3A_202 : memref<1x50x64xf32, #tpu.memory_space<vmem>> -> memref<50x64xf32, #tpu.memory_space<vmem>>
      tpu.enqueue_dma source(%dma_start3A_203 : memref<50x64xf32, #tpu.memory_space<vmem>>) target(%dma_start3A_199 : memref<50x64xf32, #tpu.memory_space<hbm>>) target_semaphore(%run_scoped3A_191 : memref<!tpu.dma_semaphore, #tpu.memory_space<semaphore_mem>>)
      %dma_wait3A_204 = arith.constant 250 : i32
      %dma_wait3A_205 = arith.constant 0 : i32
      %dma_wait3A_206 = tpu.memref_slice %arg6[%run_scoped3A_178, %dma_wait3A_204, %dma_wait3A_205] : memref<2x400x64xf32, #tpu.memory_space<vmem>> -> memref<1x50x64xf32, #tpu.memory_space<vmem>>
      %dma_wait3A_207 = tpu.memref_squeeze %dma_wait3A_206 : memref<1x50x64xf32, #tpu.memory_space<vmem>> -> memref<50x64xf32, #tpu.memory_space<vmem>>
      %dma_wait3A_208 = arith.constant 0 : i32
      %dma_wait3A_209 = tpu.memref_slice %arg4[%multiple_of3A_177, %dma_wait3A_208] : memref<229376x128xf32, #tpu.memory_space<hbm>> -> memref<50x64xf32, #tpu.memory_space<hbm>>
      %dma_wait3A_210 = arith.constant 0 : i32
      %dma_wait3A_211 = tpu.memref_slice %arg4[%multiple_of3A_177, %dma_wait3A_210] : memref<229376x128xf32, #tpu.memory_space<hbm>> -> memref<50x64xf32, #tpu.memory_space<hbm>>
      %dma_wait3A_212 = arith.constant 250 : i32
      %dma_wait3A_213 = arith.constant 0 : i32
      %dma_wait3A_214 = tpu.memref_slice %arg6[%run_scoped3A_178, %dma_wait3A_212, %dma_wait3A_213] : memref<2x400x64xf32, #tpu.memory_space<vmem>> -> memref<1x50x64xf32, #tpu.memory_space<vmem>>
      %dma_wait3A_215 = tpu.memref_squeeze %dma_wait3A_214 : memref<1x50x64xf32, #tpu.memory_space<vmem>> -> memref<50x64xf32, #tpu.memory_space<vmem>>
      tpu.wait_dma2 semaphore(%run_scoped3A_191 : memref<!tpu.dma_semaphore, #tpu.memory_space<semaphore_mem>>) src(%dma_wait3A_215 : memref<50x64xf32, #tpu.memory_space<vmem>>) dst(%dma_wait3A_211 : memref<50x64xf32, #tpu.memory_space<hbm>>)
      tpu.yield
    }) : () -> ()
    %add3A_179 = arith.constant 6 : i32
    %add3A_180 = arith.addi %select_n3A_142, %add3A_179 : i32
    %mul3A_181 = arith.constant 56 : i32
    %mul3A_182 = arith.muli %add3A_180, %mul3A_181 : i32
    %multiple_of3A_183 = tpu.assume_multiple %mul3A_182, 8 : i32
    %run_scoped3A_184 = arith.constant 1 : i32
    "tpu.region"() ({
      %run_scoped3A_191 = tpu.sem_alloc : memref<!tpu.dma_semaphore, #tpu.memory_space<semaphore_mem>>
      %dma_start3A_192 = arith.constant 300 : i32
      %dma_start3A_193 = arith.constant 0 : i32
      %dma_start3A_194 = tpu.memref_slice %arg6[%run_scoped3A_184, %dma_start3A_192, %dma_start3A_193] : memref<2x400x64xf32, #tpu.memory_space<vmem>> -> memref<1x50x64xf32, #tpu.memory_space<vmem>>
      %dma_start3A_195 = tpu.memref_squeeze %dma_start3A_194 : memref<1x50x64xf32, #tpu.memory_space<vmem>> -> memref<50x64xf32, #tpu.memory_space<vmem>>
      %dma_start3A_196 = arith.constant 0 : i32
      %dma_start3A_197 = tpu.memref_slice %arg4[%multiple_of3A_183, %dma_start3A_196] : memref<229376x128xf32, #tpu.memory_space<hbm>> -> memref<50x64xf32, #tpu.memory_space<hbm>>
      %dma_start3A_198 = arith.constant 0 : i32
      %dma_start3A_199 = tpu.memref_slice %arg4[%multiple_of3A_183, %dma_start3A_198] : memref<229376x128xf32, #tpu.memory_space<hbm>> -> memref<50x64xf32, #tpu.memory_space<hbm>>
      %dma_start3A_200 = arith.constant 300 : i32
      %dma_start3A_201 = arith.constant 0 : i32
      %dma_start3A_202 = tpu.memref_slice %arg6[%run_scoped3A_184, %dma_start3A_200, %dma_start3A_201] : memref<2x400x64xf32, #tpu.memory_space<vmem>> -> memref<1x50x64xf32, #tpu.memory_space<vmem>>
      %dma_start3A_203 = tpu.memref_squeeze %dma_start3A_202 : memref<1x50x64xf32, #tpu.memory_space<vmem>> -> memref<50x64xf32, #tpu.memory_space<vmem>>
      tpu.enqueue_dma source(%dma_start3A_203 : memref<50x64xf32, #tpu.memory_space<vmem>>) target(%dma_start3A_199 : memref<50x64xf32, #tpu.memory_space<hbm>>) target_semaphore(%run_scoped3A_191 : memref<!tpu.dma_semaphore, #tpu.memory_space<semaphore_mem>>)
      %dma_wait3A_204 = arith.constant 300 : i32
      %dma_wait3A_205 = arith.constant 0 : i32
      %dma_wait3A_206 = tpu.memref_slice %arg6[%run_scoped3A_184, %dma_wait3A_204, %dma_wait3A_205] : memref<2x400x64xf32, #tpu.memory_space<vmem>> -> memref<1x50x64xf32, #tpu.memory_space<vmem>>
      %dma_wait3A_207 = tpu.memref_squeeze %dma_wait3A_206 : memref<1x50x64xf32, #tpu.memory_space<vmem>> -> memref<50x64xf32, #tpu.memory_space<vmem>>
      %dma_wait3A_208 = arith.constant 0 : i32
      %dma_wait3A_209 = tpu.memref_slice %arg4[%multiple_of3A_183, %dma_wait3A_208] : memref<229376x128xf32, #tpu.memory_space<hbm>> -> memref<50x64xf32, #tpu.memory_space<hbm>>
      %dma_wait3A_210 = arith.constant 0 : i32
      %dma_wait3A_211 = tpu.memref_slice %arg4[%multiple_of3A_183, %dma_wait3A_210] : memref<229376x128xf32, #tpu.memory_space<hbm>> -> memref<50x64xf32, #tpu.memory_space<hbm>>
      %dma_wait3A_212 = arith.constant 300 : i32
      %dma_wait3A_213 = arith.constant 0 : i32
      %dma_wait3A_214 = tpu.memref_slice %arg6[%run_scoped3A_184, %dma_wait3A_212, %dma_wait3A_213] : memref<2x400x64xf32, #tpu.memory_space<vmem>> -> memref<1x50x64xf32, #tpu.memory_space<vmem>>
      %dma_wait3A_215 = tpu.memref_squeeze %dma_wait3A_214 : memref<1x50x64xf32, #tpu.memory_space<vmem>> -> memref<50x64xf32, #tpu.memory_space<vmem>>
      tpu.wait_dma2 semaphore(%run_scoped3A_191 : memref<!tpu.dma_semaphore, #tpu.memory_space<semaphore_mem>>) src(%dma_wait3A_215 : memref<50x64xf32, #tpu.memory_space<vmem>>) dst(%dma_wait3A_211 : memref<50x64xf32, #tpu.memory_space<hbm>>)
      tpu.yield
    }) : () -> ()
    %add3A_185 = arith.constant 7 : i32
    %add3A_186 = arith.addi %select_n3A_142, %add3A_185 : i32
    %mul3A_187 = arith.constant 56 : i32
    %mul3A_188 = arith.muli %add3A_186, %mul3A_187 : i32
    %multiple_of3A_189 = tpu.assume_multiple %mul3A_188, 8 : i32
    %run_scoped3A_190 = arith.constant 1 : i32
    "tpu.region"() ({
      %run_scoped3A_191 = tpu.sem_alloc : memref<!tpu.dma_semaphore, #tpu.memory_space<semaphore_mem>>
      %dma_start3A_192 = arith.constant 350 : i32
      %dma_start3A_193 = arith.constant 0 : i32
      %dma_start3A_194 = tpu.memref_slice %arg6[%run_scoped3A_190, %dma_start3A_192, %dma_start3A_193] : memref<2x400x64xf32, #tpu.memory_space<vmem>> -> memref<1x50x64xf32, #tpu.memory_space<vmem>>
      %dma_start3A_195 = tpu.memref_squeeze %dma_start3A_194 : memref<1x50x64xf32, #tpu.memory_space<vmem>> -> memref<50x64xf32, #tpu.memory_space<vmem>>
      %dma_start3A_196 = arith.constant 0 : i32
      %dma_start3A_197 = tpu.memref_slice %arg4[%multiple_of3A_189, %dma_start3A_196] : memref<229376x128xf32, #tpu.memory_space<hbm>> -> memref<50x64xf32, #tpu.memory_space<hbm>>
      %dma_start3A_198 = arith.constant 0 : i32
      %dma_start3A_199 = tpu.memref_slice %arg4[%multiple_of3A_189, %dma_start3A_198] : memref<229376x128xf32, #tpu.memory_space<hbm>> -> memref<50x64xf32, #tpu.memory_space<hbm>>
      %dma_start3A_200 = arith.constant 350 : i32
      %dma_start3A_201 = arith.constant 0 : i32
      %dma_start3A_202 = tpu.memref_slice %arg6[%run_scoped3A_190, %dma_start3A_200, %dma_start3A_201] : memref<2x400x64xf32, #tpu.memory_space<vmem>> -> memref<1x50x64xf32, #tpu.memory_space<vmem>>
      %dma_start3A_203 = tpu.memref_squeeze %dma_start3A_202 : memref<1x50x64xf32, #tpu.memory_space<vmem>> -> memref<50x64xf32, #tpu.memory_space<vmem>>
      tpu.enqueue_dma source(%dma_start3A_203 : memref<50x64xf32, #tpu.memory_space<vmem>>) target(%dma_start3A_199 : memref<50x64xf32, #tpu.memory_space<hbm>>) target_semaphore(%run_scoped3A_191 : memref<!tpu.dma_semaphore, #tpu.memory_space<semaphore_mem>>)
      %dma_wait3A_204 = arith.constant 350 : i32
      %dma_wait3A_205 = arith.constant 0 : i32
      %dma_wait3A_206 = tpu.memref_slice %arg6[%run_scoped3A_190, %dma_wait3A_204, %dma_wait3A_205] : memref<2x400x64xf32, #tpu.memory_space<vmem>> -> memref<1x50x64xf32, #tpu.memory_space<vmem>>
      %dma_wait3A_207 = tpu.memref_squeeze %dma_wait3A_206 : memref<1x50x64xf32, #tpu.memory_space<vmem>> -> memref<50x64xf32, #tpu.memory_space<vmem>>
      %dma_wait3A_208 = arith.constant 0 : i32
      %dma_wait3A_209 = tpu.memref_slice %arg4[%multiple_of3A_189, %dma_wait3A_208] : memref<229376x128xf32, #tpu.memory_space<hbm>> -> memref<50x64xf32, #tpu.memory_space<hbm>>
      %dma_wait3A_210 = arith.constant 0 : i32
      %dma_wait3A_211 = tpu.memref_slice %arg4[%multiple_of3A_189, %dma_wait3A_210] : memref<229376x128xf32, #tpu.memory_space<hbm>> -> memref<50x64xf32, #tpu.memory_space<hbm>>
      %dma_wait3A_212 = arith.constant 350 : i32
      %dma_wait3A_213 = arith.constant 0 : i32
      %dma_wait3A_214 = tpu.memref_slice %arg6[%run_scoped3A_190, %dma_wait3A_212, %dma_wait3A_213] : memref<2x400x64xf32, #tpu.memory_space<vmem>> -> memref<1x50x64xf32, #tpu.memory_space<vmem>>
      %dma_wait3A_215 = tpu.memref_squeeze %dma_wait3A_214 : memref<1x50x64xf32, #tpu.memory_space<vmem>> -> memref<50x64xf32, #tpu.memory_space<vmem>>
      tpu.wait_dma2 semaphore(%run_scoped3A_191 : memref<!tpu.dma_semaphore, #tpu.memory_space<semaphore_mem>>) src(%dma_wait3A_215 : memref<50x64xf32, #tpu.memory_space<vmem>>) dst(%dma_wait3A_211 : memref<50x64xf32, #tpu.memory_space<hbm>>)
      tpu.yield
    }) : () -> ()
    return
  }
}

</mosaic_0001>

<sc_bundles>
// kernel: kernel.3.cloned.1.call-start
scs
__scs_entry_jumppad:
0x0: {  	(pc) =	sbr.rel $0x88, $3  }
0x1: {  	(tag) =	ssettag $0x0;
	lr =	simm.s32 $0x1  }
0x2: {  	[smem:$0x3F9F] =	sst lr;
	_ =	strace $0xD0000000  }
0x3: {  	_ = 	snop  }
0x4: {  	_ = 	snop  }
0x5: {  	_ = 	snop  }
0x6: {  	_ = 	snop  }
0x7: {  	_ = 	snop  }
__scs_overlays_trampoline_lowered:
0x8: {  	[smem:$0x3FAE] =	sst s0  }
0x9: {  	[smem:$0x3FAF] =	sst s1  }
0xa: {  	[smem:$0x3FB0] =	sst s2  }
0xb: {  	[smem:$0x3FB1] =	sst s3  }
0xc: {  	[smem:$0x3FB2] =	sst s4  }
0xd: {  	[smem:$0x3FB3] =	sst s5  }
0xe: {  	[smem:$0x3FB4] =	sst s6  }
0xf: {  	[smem:$0x3FB5] =	sst s7  }
0x10: {  	[smem:$0x3FB6] =	sst s8  }
0x11: {  	[smem:$0x3FB7] =	sst s9;
	s0 =	simm.s32 @!p0 $0x0  }
0x12: {  	s1 =	sld [smem:$0x3F9D];
	s0 =	simm.s32 @p0 $0x1  }
0x13: {  	[smem:$0x3FB8] =	sst s0;
	s0 =	simm.s32 @!p1 $0x0  }
0x14: {  	s2 =	sld [smem:$0x3F9C];
	s0 =	simm.s32 @p1 $0x1  }
0x15: {  	[smem:$0x3FB9] =	sst s0;
	s0 =	simm.s32 @!p2 $0x0  }
0x16: {  	s3 =	sld [smem:$0x3FDB];
	s0 =	simm.s32 @p2 $0x1  }
0x17: {  	s4 =	simm.s32 $0x1BF5;
	[smem:$0x3FBB] =	sst s0  }
0x18: {  	s0 =	sld [smem:$0x3F9E];
	_ =	swait.ge [sflag:s4], $0x0  }
0x19: {  	s7 =	sld [smem:$0x3F9F]  }
0x1a: {  	s8 =	sadd.s32 $0xFFFFE003, lr  }
0x1b: {  	s9 =	sadd.s32 $0xFFFFFEF7, lr;
	s5 =	simm.s32 $0xFFFFFFFF;
	p2 =	slt.u32 s8, $0xFFFFF086  }
0x1c: {  	p1 =	slt.u32 s9, $0xF7A;
	s5 =	simm.s32 @!p2 $0x0  }
0x1d: {  	s5 =	simm.s32 @p1 $0x1;
	p0 =	seq.s32 s7, s2  }
0x1e: {  	s7 =	smul.u32 @!p0 $0xF7A, s2;
	p2 =	seq.s32 @!p0 s5, $0x0  }
0x1f: {  	s9 =	smul.u32 $0xF7A, s1;
	s8 =	simm.s32 @!p0 $0x1BF5;
	p2 =	por !p2, p0  }
0x20: {  	[sflag:s8] =	ssyncset.s32 @!p0 $0xFFFFF086;
	s6 =	sadd.s32 @!p0 s3, s7;
	s7 =	simm.s32 @!p0 $0x108  }
0x21: {  	s3 =	sadd.s32 s3, s9;
	s6 =	sadd.s32 @!p0 $0x88, s6;
	s7 =	simm.s32 @p2 $0x1082  }
0x22: {  	[simem:s7], [sflag:s8] =	dma.local @!p0 [hbm:s6], $0xF7A  }
0x23: {  	s9 =	sor.u32 $0xD0000000, s2;
	s6 =	simm.s32 $0x108;
	_ =	swait.ge @!p0 [sflag:s8], $0x0  }
0x24: {  	s3 =	sadd.s32 $0x88, s3;
	s6 =	simm.s32 @!p1 $0x1082;
	[sflag:s4] =	ssyncset.s32 $0xFFFFF086  }
0x25: {  	[simem:s6], [sflag:s4] =	dma.local [hbm:s3], $0xF7A  }
0x26: {  	[smem:$0x3F9F] =	sst s1;
	(tag) =	ssettag s2;
	_ =	strace s9  }
0x27: {  	s1 =	sld [smem:$0x3FAF]  }
0x28: {  	s2 =	sld [smem:$0x3FB0]  }
0x29: {  	s4 =	sld [smem:$0x3FB2]  }
0x2a: {  	p0 =	seq.s32 s5, $0x0;
	s5 =	sld [smem:$0x3FB3]  }
0x2b: {  	s6 =	sld [smem:$0x3FB4]  }
0x2c: {  	s7 =	sld [smem:$0x3FB5]  }
0x2d: {  	s3 =	simm.s32 $0x108;
	s8 =	sld [smem:$0x3FB6]  }
0x2e: {  	s3 =	simm.s32 @!p0 $0x1082;
	s9 =	sld [smem:$0x3FB7]  }
0x2f: {  	lr =	sadd.s32 s0, s3;
	s0 =	sld [smem:$0x3FAE]  }
0x30: {  	s3 =	sld [smem:$0x3FB1]  }
0x31: {  	[smem:$0x3FBA] =	sst s10  }
0x32: {  	s10 =	sld [smem:$0x3FB8];
	_ =	sdelay $0x3  }
0x33: {  	p0 =	seq.s32 s10, $0x1;
	s10 =	sld [smem:$0x3FBA];
	_ =	sdelay $0x3  }
0x34: {  	[smem:$0x3FBA] =	sst s10  }
0x35: {  	s10 =	sld [smem:$0x3FB9];
	_ =	sdelay $0x3  }
0x36: {  	p1 =	seq.s32 s10, $0x1;
	s10 =	sld [smem:$0x3FBA];
	_ =	sdelay $0x3  }
0x37: {  	[smem:$0x3FBA] =	sst s10  }
0x38: {  	s10 =	sld [smem:$0x3FBB]  }
0x39: {  	_ = 	snop;
	(pc) =	sbr.ind lr, $3  }
0x3a: {  	_ = 	snop  }
0x3b: {  	_ = 	snop  }
0x3c: {  	p2 =	seq.s32 s10, $0x1;
	s10 =	sld [smem:$0x3FBA]  }
0x3d: {  	_ =	shalt  }
0x3e: {  	_ =	shalt  }
0x3f: {  	_ =	shalt  }
0x40: {  	_ =	shalt  }
0x41: {  	_ =	shalt  }
0x42: {  	_ =	shalt  }
0x43: {  	_ =	shalt  }
0x44: {  	_ =	shalt  }
0x45: {  	_ =	shalt  }
0x46: {  	_ =	shalt  }
0x47: {  	_ =	shalt  }
0x48: {  	_ =	shalt  }
0x49: {  	_ =	shalt  }
0x4a: {  	_ =	shalt  }
0x4b: {  	_ =	shalt  }
0x4c: {  	_ =	shalt  }
0x4d: {  	_ =	shalt  }
0x4e: {  	_ =	shalt  }
0x4f: {  	_ =	shalt  }
0x50: {  	_ =	shalt  }
0x51: {  	_ =	shalt  }
0x52: {  	_ =	shalt  }
0x53: {  	_ =	shalt  }
0x54: {  	_ =	shalt  }
0x55: {  	_ =	shalt  }
0x56: {  	_ =	shalt  }
0x57: {  	_ =	shalt  }
0x58: {  	_ =	shalt  }
0x59: {  	_ =	shalt  }
0x5a: {  	_ =	shalt  }
0x5b: {  	_ =	shalt  }
0x5c: {  	_ =	shalt  }
0x5d: {  	_ =	shalt  }
0x5e: {  	_ =	shalt  }
0x5f: {  	_ =	shalt  }
0x60: {  	_ =	shalt  }
0x61: {  	_ =	shalt  }
0x62: {  	_ =	shalt  }
0x63: {  	_ =	shalt  }
0x64: {  	_ =	shalt  }
0x65: {  	_ =	shalt  }
0x66: {  	_ =	shalt  }
0x67: {  	_ =	shalt  }
0x68: {  	_ =	shalt  }
0x69: {  	_ =	shalt  }
0x6a: {  	_ =	shalt  }
0x6b: {  	_ =	shalt  }
0x6c: {  	_ =	shalt  }
0x6d: {  	_ =	shalt  }
0x6e: {  	_ =	shalt  }
0x6f: {  	_ =	shalt  }
0x70: {  	_ =	shalt  }
0x71: {  	_ =	shalt  }
0x72: {  	_ =	shalt  }
0x73: {  	_ =	shalt  }
0x74: {  	_ =	shalt  }
0x75: {  	_ =	shalt  }
0x76: {  	_ =	shalt  }
0x77: {  	_ =	shalt  }
0x78: {  	_ =	shalt  }
0x79: {  	_ =	shalt  }
0x7a: {  	_ =	shalt  }
0x7b: {  	_ =	shalt  }
0x7c: {  	_ =	shalt  }
0x7d: {  	_ =	shalt  }
0x7e: {  	_ =	shalt  }
0x7f: {  	_ =	shalt  }
0x80: {  	_ =	shalt  }
0x81: {  	_ =	shalt  }
0x82: {  	_ =	shalt  }
0x83: {  	_ =	shalt  }
0x84: {  	_ =	shalt  }
0x85: {  	_ =	shalt  }
0x86: {  	_ =	shalt  }
0x87: {  	_ =	shalt  }
.Lfunc_end0:
.L_simem_size_0:
called_computation.1_lowered:
.L_overlay_start_0:
0x88: {  	s2 =	sld [smem:$0x3FD9]  }
0x89: {  	s3 =	sld [smem:$0x3FFE];
	_ =	sdelay $0x1  }
0x8a: {  	s1 =	srdreg.scid  }
0x8b: {  	s0 =	sand.u32 $0x1, s1  }
0x8c: {  	s17 =	sshll.u32 s0, $0xA;
	s2 =	sadd.s32 s3, s2  }
0x8d: {  	s2 =	sadd.s32 s2, s17  }
0x8e: {  	[smem:$0x3FC6] =	sst s2  }
0x8f: {  	_ = 	snop  }
0x90: {  	s2 =	sld [smem:$0x3FD0];
	(tm) =	ssettm $0x1  }
0x91: {  	s18 =	sld [smem:$0x3FFB];
	_ =	sdelay $0x3  }
0x92: {  	_ =	strace s18  }
0x93: {  	s3 =	sld [smem:$0x3FFC];
	_ =	sdelay $0x3  }
0x94: {  	_ =	strace s3  }
0x95: {  	s3 =	sld [smem:$0x3FFD];
	_ =	sdelay $0x3  }
0x96: {  	_ =	strace s3  }
0x97: {  	_ =	strace $0x8FFFFFFF  }
0x98: {  	s19 =	sld [smem:$0x3FDB];
	_ =	sdelay $0x1  }
0x99: {  	s4 =	simm.s32 $_scs_section_size  }
0x9a: {  	s5 =	simm.s32 $_size__tile_overlayer_lowered;
	s6 =	simm.s32 $_tile_overlayer_lowered  }
0x9b: {  	s22 =	simm.s32 $0x1BFF;
	s21 =	sshll.u32 s6, $0x1;
	s3 =	sadd.s32 s4, s19  }
0x9c: {  	s7 =	simm.s32 $0x0;
	s20 =	sshll.u32 s5, $0x1;
	s5 =	sadd.s32 s21, s3  }
0x9d: {  	[timem:s7], [sflag:s22] =	dma.local [hbm:s5], s20  }
0x9e: {  	_ =	swait.ge [sflag:s22], s20  }
0x9f: {  	s4 =	ssub.s32 $0x0, s20;
	[sflag:s22] =	ssyncset.done $0x0  }
0xa0: {  	[sflag:s22] =	ssyncadd.s32 s4;
	_ =	sdelay $0x1  }
0xa1: {  	s23 =	simm.s32 $0x1B8B  }
0xa2: {  	_ =	swait.ge [sflag:s23], $0x1  }
0xa3: {  	[sflag:s23] =	ssyncset.done $0x0  }
0xa4: {  	s25 =	simm.s32 $0x1B8E;
	s24 =	sld [smem:$0x3FFE];
	[sflag:s23] =	ssyncadd.s32 $0xFFFFFFFF  }
0xa5: {  	s26 =	simm.s32 $execute0_lowered;
	[smem:$0x3FD2] =	sst s25  }
0xa6: {  	s5 =	sshll.u32 s26, $0x1;
	_ =	strace $0x80000046;
	[dreg:$0x1] =	wrdreg $0xFFFFFFFF  }
0xa7: {  	s28 =	simm.s32 $_size_execute0_lowered;
	s3 =	sadd.s32 s3, s5;
	[dreg:$0x0] =	wrdreg $0x0  }
0xa8: {  	s5 =	sshll.u32 s28, $0x1;
	[dreg:$0x2] =	wrdreg s3  }
0xa9: {  	[dreg:$0x3] =	wrdreg s5  }
0xaa: {  	[dreg:$0x4] =	wrdreg $0xC0  }
0xab: {  	_ =	task [dreg:s7], $0x5FFFF  }
0xac: {  	[dreg:$0x1] =	wrdreg $0xFFFFFFFF  }
0xad: {  	[dreg:$0x0] =	wrdreg $0x60  }
0xae: {  	[dreg:$0x2] =	wrdreg s24  }
0xaf: {  	[dreg:$0x3] =	wrdreg s2  }
0xb0: {  	[dreg:$0x4] =	wrdreg $0x9  }
0xb1: {  	_ =	task.clear_ibuf [dreg:s7], $0x5FFFF;
	_ =	strace $0x90000046  }
0xb2: {  	s29 =	simm.s32 $0x9;
	_ =	strace $0x80000048  }
0xb3: {  	_ =	swait.ge [sflag:s29], $0x1  }
0xb4: {  	[sflag:s29] =	ssyncadd.s32 $0xFFFFFFFF  }
0xb5: {  	_ =	strace $0x90000048  }
0xb6: {  	_ =	sfence  }
0xb7: {  	s30 =	sld [smem:$0x0];
	_ =	sdelay $0x2  }
0xb8: {  	s31 =	sshll.u32 s1, $0xD;
	s1 =	sshrl.u32 s1, $0x2  }
0xb9: {  	s3 =	sand.u32 $0x4000, s31;
	s1 =	sadd.s32 s1, s30  }
0xba: {  	s0 =	sor.u32 s3, s0;
	s1 =	sshll.u32 s1, $0x11  }
0xbb: {  	s0 =	sor.u32 s1, s0  }
0xbc: {  	s0 =	sadd.s32 $0x8F2B, s0  }
0xbd: {  	[sflag:s0] =	ssyncadd.remote.s32 $0x1  }
0xbe: {  	_ =	sfence.sel $0xFFFF  }
0xbf: {  	[dreg:$0x0] =	wrdreg $0xFFFFFFFF;
	(pc) =	sbr.abs _section_cstart, $3  }
0xc0: {  	[dreg:$0x1] =	wrdreg $0xFFFFFFFF  }
0xc1: {  	_ =	task.clear_ibuf [dreg:s7], $0x2FFFF;
	_ =	strace $0x9FFFFFFF  }
0xc2: {  	(tm) =	ssettm $0x7FFFFFFF  }
0xc3: {  	_ =	shalt  }
tec
execute0_lowered:
.L_overlay_start_1:
0x0: {  	(tag) =	ssettag $0x1  }
0x1: {  	s0 =	srdreg.scid;
	s11 =	stileid.u32  }
0x2: {  	s0 =	sand.u32 $0x1, s0;
	s1 =	sshll.u32 s11, $0x1;
	s22 =	smul.u32 $0x3200, s11  }
0x3: {  	s1 =	sor.u32 s0, s1;
	s7 =	ssub.s32 $0x2, s0;
	s0 =	smul.u32 $0x1900, s0  }
0x4: {  	s4 =	rddreg [dreg:$0x0];
	s1 =	smul.u32 $0x1900, s1  }
0x5: {  	s5 =	rddreg [dreg:$0x1];
	s2 =	simm.s32 $0x0;
	s0 =	sadd.s32 s0, s22  }
0x6: {  	s29 =	simm.s32 $0x1;
	s3 =	sadd.s32 $0x15E0, s1;
	s0 =	smulhi.u32 $0x51EB852, s0  }
0x7: {  	s30 =	simm.s32 $0x40;
	s10 =	sadd.s32 $0x1770, s1;
	s6 =	smulhi.u32 $0x51EB852, s3  }
0x8: {  	s31 =	simm.s32 $0x80;
	[smem:$0x7FF] =	sst s2;
	s18 =	smulhi.u32 $0x51EB852, s10  }
0x9: {  	_ =	strace $0x80000047;
	s8 =	sshrl.u32 s7, $0x1;
	s0 =	smul.u32 $0x380, s0  }
0xa: {  	s7 =	ssub.s32 s7, s8;
	s1 =	sshrl.u32 s1, $0x3;
	s9 =	smul.u32 $0x1C00, s6  }
0xb: {  	s3 =	sadd.s32 $0xF42E00, s4;
	s1 =	sadd.s32 s5, s1;
	s6 =	smul.u32 $0x380, s6  }
0xc: {  	s4 =	sadd.s32 $0xA00, s4;
	[dreg:$0x3] =	wrdreg s1;
	s20 =	smul.u32 $0x1C00, s18  }
0xd: {  	s8 =	smul.u32 $0x380, s18;
	s22 =	sadd.s32 s0, s4;
	s0 =	simm.s32 $0x0  }
0xe: {  	s9 =	sshrl.u32 s9, $0x3;
	s6 =	sadd.s32 s4, s6;
	s5 =	sshrl.u32 s20, $0x3  }
0xf: {  	s13 =	sadd.s32 s4, s8;
	s19 =	sadd.s32 s4, s9;
	[dreg:$0x4] =	wrdreg s6  }
0x10: {  	s28 =	sadd.s32 s4, s5;
	s21 =	sadd.s32 $0x380, s19;
	s9 =	sadd.s32 $0x700, s19  }
0x11: {  	s23 =	sadd.s32 $0xA80, s19;
	s24 =	sadd.s32 $0xE00, s19;
	[dreg:$0x5] =	wrdreg s21  }
0x12: {  	s25 =	sadd.s32 $0x1180, s19;
	s26 =	sadd.s32 $0x1500, s19;
	[dreg:$0x6] =	wrdreg s9  }
0x13: {  	s1 =	sadd.s32 $0x1880, s19;
	s14 =	sadd.s32 $0x380, s28;
	[dreg:$0x7] =	wrdreg s23  }
0x14: {  	s15 =	sadd.s32 $0x700, s28;
	s16 =	sadd.s32 $0xA80, s28;
	[dreg:$0x8] =	wrdreg s24  }
0x15: {  	s17 =	sadd.s32 $0xE00, s28;
	s18 =	sadd.s32 $0x1180, s28;
	[dreg:$0x9] =	wrdreg s25  }
0x16: {  	s19 =	sadd.s32 $0x1500, s28;
	s20 =	sadd.s32 $0x1880, s28;
	[dreg:$0xa] =	wrdreg s26  }
0x17: {  	[dreg:$0xb] =	wrdreg s1;
	s21 =	smax.u32 s7, $0x1;
	s23 =	simm.s32 $0x2  }
0x18: {  	s24 =	simm.s32 $0x190;
	s25 =	simm.s32 $0x1900;
	s26 =	simm.s32 $0x7D00  }
.LBB2_1:
0x19: {  	s1 =	rddreg [dreg:$0x3]  }
0x1a: {  	[tilespmem:s2], [sflag:$0x2] =	stream.linear.gather [hbm4b:s1+s2], $0x1900, $0x38;
	[tilespmem:$0xE100] =	vst v63  }
0x1b: {  	_ =	swait.ge [sflag:s23], $0x1900  }
0x1c: {  	[sflag:s23] =	ssyncset.done $0x0  }
0x1d: {  	[sflag:s23] =	ssyncadd.s32 $0xFFFFE700  }
0x1e: {  	[tilespmem:s25], [sflag:$0x1] =	stream.indirect.gather [hbm4b:s3+s24], $0x40, s2, s24, $0xb8;
	[tilespmem:$0xE100] =	vst v63  }
0x1f: {  	s6 =	sand.u32 $0x1, s2  }
0x20: {  	[tilespmem:s26], [sflag:$0x1] =	stream.indirect.gather [hbm4b:s3+s24], $0x40, s24, s24, $0xb8;
	[tilespmem:$0xE100] =	vst v63  }
0x21: {  	s4 =	simm.s32 $0x6400;
	p0 =	seq.s32 s6, $0x1;
	_ =	swait.ge [sflag:s29], $0x6400  }
0x22: {  	s4 =	simm.s32 @!p0 $0x0;
	[sflag:s29] =	ssyncset.done $0x0  }
0x23: {  	s5 =	sadd.s32 $0x0, s22;
	s1 =	sor.u32 $0x1900, s4;
	[sflag:s29] =	ssyncadd.s32 $0xFFFF9C00  }
0x24: {  	[hbm4b:s5+s30] =	stream.strided.scatter [tilespmem:s1], [sflag:$0x2], $0xC80, s31, s30, $0x38;
	[tilespmem:$0xE100] =	vst v63  }
0x25: {  	_ =	swait.ge [sflag:s23], $0xC80  }
0x26: {  	[sflag:s23] =	ssyncset.done $0x0  }
0x27: {  	s6 =	sadd.s32 $0x380, s5;
	s7 =	sadd.s32 $0x2580, s4;
	[sflag:s23] =	ssyncadd.s32 $0xFFFFF380  }
0x28: {  	[hbm4b:s6+s30] =	stream.strided.scatter [tilespmem:s7], [sflag:$0x2], $0xC80, s31, s30, $0x38;
	[tilespmem:$0xE100] =	vst v63  }
0x29: {  	_ =	swait.ge [sflag:s23], $0xC80  }
0x2a: {  	[sflag:s23] =	ssyncset.done $0x0  }
0x2b: {  	s8 =	sadd.s32 $0x3200, s4;
	s7 =	sadd.s32 $0x700, s5;
	[sflag:s23] =	ssyncadd.s32 $0xFFFFF380  }
0x2c: {  	[hbm4b:s7+s30] =	stream.strided.scatter [tilespmem:s8], [sflag:$0x2], $0xC80, s31, s30, $0x38;
	[tilespmem:$0xE100] =	vst v63  }
0x2d: {  	_ =	swait.ge [sflag:s23], $0xC80  }
0x2e: {  	[sflag:s23] =	ssyncset.done $0x0  }
0x2f: {  	s9 =	sadd.s32 $0xA80, s5;
	s10 =	sadd.s32 $0x3E80, s4;
	[sflag:s23] =	ssyncadd.s32 $0xFFFFF380  }
0x30: {  	[hbm4b:s9+s30] =	stream.strided.scatter [tilespmem:s10], [sflag:$0x2], $0xC80, s31, s30, $0x38;
	[tilespmem:$0xE100] =	vst v63  }
0x31: {  	_ =	swait.ge [sflag:s23], $0xC80  }
0x32: {  	[sflag:s23] =	ssyncset.done $0x0  }
0x33: {  	s11 =	sadd.s32 $0xE00, s5;
	s12 =	sadd.s32 $0x4B00, s4;
	[sflag:s23] =	ssyncadd.s32 $0xFFFFF380  }
0x34: {  	[hbm4b:s11+s30] =	stream.strided.scatter [tilespmem:s12], [sflag:$0x2], $0xC80, s31, s30, $0x38;
	[tilespmem:$0xE100] =	vst v63  }
0x35: {  	_ =	swait.ge [sflag:s23], $0xC80  }
0x36: {  	[sflag:s23] =	ssyncset.done $0x0  }
0x37: {  	s8 =	sadd.s32 $0x1180, s5;
	s9 =	sadd.s32 $0x5780, s4;
	[sflag:s23] =	ssyncadd.s32 $0xFFFFF380  }
0x38: {  	[hbm4b:s8+s30] =	stream.strided.scatter [tilespmem:s9], [sflag:$0x2], $0xC80, s31, s30, $0x38;
	[tilespmem:$0xE100] =	vst v63  }
0x39: {  	_ =	swait.ge [sflag:s23], $0xC80  }
0x3a: {  	[sflag:s23] =	ssyncset.done $0x0  }
0x3b: {  	s10 =	sadd.s32 $0x1500, s5;
	s11 =	sadd.s32 $0x6400, s4;
	[sflag:s23] =	ssyncadd.s32 $0xFFFFF380  }
0x3c: {  	[hbm4b:s10+s30] =	stream.strided.scatter [tilespmem:s11], [sflag:$0x2], $0xC80, s31, s30, $0x38;
	[tilespmem:$0xE100] =	vst v63  }
0x3d: {  	_ =	swait.ge [sflag:s23], $0xC80  }
0x3e: {  	s28 =	simm.s32 $0x4B0;
	[sflag:s23] =	ssyncset.done $0x0  }
0x3f: {  	s5 =	sadd.s32 $0x1880, s5;
	s4 =	sadd.s32 $0x7080, s4;
	[sflag:s23] =	ssyncadd.s32 $0xFFFFF380  }
0x40: {  	[hbm4b:s5+s30] =	stream.strided.scatter [tilespmem:s4], [sflag:$0x2], $0xC80, s31, s30, $0x38;
	[tilespmem:$0xE100] =	vst v63  }
0x41: {  	s6 =	simm.s32 $0x3800;
	s7 =	simm.s32 $0x2;
	_ =	swait.ge [sflag:s23], $0xC80  }
0x42: {  	s12 =	simm.s32 $0x1;
	s8 =	simm.s32 $0x320;
	[sflag:s23] =	ssyncset.done $0x0  }
0x43: {  	s4 =	simm.s32 $0x1C00;
	s5 =	sand.u32 $0x1, s12;
	[sflag:s23] =	ssyncadd.s32 $0xFFFFF380  }
.LBB2_2:
0x44: {  	[tilespmem:s1], [sflag:$0x1] =	stream.indirect.gather [hbm4b:s3+s24], $0x40, s8, s24, $0xb8;
	[tilespmem:$0xE100] =	vst v63  }
0x45: {  	p1 =	seq.s32 s5, $0x1  }
0x46: {  	s5 =	sand.u32 $0x1, s7;
	s9 =	simm.s32 $0x6400;
	_ =	swait.ge [sflag:s29], $0x6400  }
0x47: {  	p0 =	sne.s32 s6, $0x16C00;
	s9 =	simm.s32 @!p1 $0x0;
	[sflag:s29] =	ssyncset.done $0x0  }
0x48: {  	s10 =	sadd.s32 s4, s22;
	s1 =	sor.u32 $0x1900, s9;
	[sflag:s29] =	ssyncadd.s32 $0xFFFF9C00  }
0x49: {  	[hbm4b:s10+s30] =	stream.strided.scatter [tilespmem:s1], [sflag:$0x2], $0xC80, s31, s30, $0x38;
	[tilespmem:$0xE100] =	vst v63  }
0x4a: {  	s4 =	smov.u32 s6;
	s6 =	sadd.s32 $0x1C00, s6;
	_ =	swait.ge [sflag:s23], $0xC80  }
0x4b: {  	s8 =	smov.u32 s28;
	[sflag:s23] =	ssyncset.done $0x0  }
0x4c: {  	s11 =	sadd.s32 $0x380, s10;
	s12 =	sadd.s32 $0x2580, s9;
	[sflag:s23] =	ssyncadd.s32 $0xFFFFF380  }
0x4d: {  	[hbm4b:s11+s30] =	stream.strided.scatter [tilespmem:s12], [sflag:$0x2], $0xC80, s31, s30, $0x38;
	[tilespmem:$0xE100] =	vst v63  }
0x4e: {  	_ =	swait.ge [sflag:s23], $0xC80  }
0x4f: {  	[sflag:s23] =	ssyncset.done $0x0  }
0x50: {  	s11 =	sadd.s32 $0x700, s10;
	s12 =	sadd.s32 $0x3200, s9;
	[sflag:s23] =	ssyncadd.s32 $0xFFFFF380  }
0x51: {  	[hbm4b:s11+s30] =	stream.strided.scatter [tilespmem:s12], [sflag:$0x2], $0xC80, s31, s30, $0x38;
	[tilespmem:$0xE100] =	vst v63  }
0x52: {  	_ =	swait.ge [sflag:s23], $0xC80  }
0x53: {  	[sflag:s23] =	ssyncset.done $0x0  }
0x54: {  	s11 =	sadd.s32 $0xA80, s10;
	s12 =	sadd.s32 $0x3E80, s9;
	[sflag:s23] =	ssyncadd.s32 $0xFFFFF380  }
0x55: {  	[hbm4b:s11+s30] =	stream.strided.scatter [tilespmem:s12], [sflag:$0x2], $0xC80, s31, s30, $0x38;
	[tilespmem:$0xE100] =	vst v63  }
0x56: {  	_ =	swait.ge [sflag:s23], $0xC80  }
0x57: {  	[sflag:s23] =	ssyncset.done $0x0  }
0x58: {  	s11 =	sadd.s32 $0xE00, s10;
	s12 =	sadd.s32 $0x4B00, s9;
	[sflag:s23] =	ssyncadd.s32 $0xFFFFF380  }
0x59: {  	[hbm4b:s11+s30] =	stream.strided.scatter [tilespmem:s12], [sflag:$0x2], $0xC80, s31, s30, $0x38;
	[tilespmem:$0xE100] =	vst v63  }
0x5a: {  	_ =	swait.ge [sflag:s23], $0xC80  }
0x5b: {  	[sflag:s23] =	ssyncset.done $0x0  }
0x5c: {  	s11 =	sadd.s32 $0x1180, s10;
	s12 =	sadd.s32 $0x5780, s9;
	[sflag:s23] =	ssyncadd.s32 $0xFFFFF380  }
0x5d: {  	[hbm4b:s11+s30] =	stream.strided.scatter [tilespmem:s12], [sflag:$0x2], $0xC80, s31, s30, $0x38;
	[tilespmem:$0xE100] =	vst v63  }
0x5e: {  	_ =	swait.ge [sflag:s23], $0xC80  }
0x5f: {  	[sflag:s23] =	ssyncset.done $0x0  }
0x60: {  	s11 =	sadd.s32 $0x1500, s10;
	s12 =	sadd.s32 $0x6400, s9;
	[sflag:s23] =	ssyncadd.s32 $0xFFFFF380  }
0x61: {  	[hbm4b:s11+s30] =	stream.strided.scatter [tilespmem:s12], [sflag:$0x2], $0xC80, s31, s30, $0x38;
	[tilespmem:$0xE100] =	vst v63  }
0x62: {  	_ =	swait.ge [sflag:s23], $0xC80  }
0x63: {  	s10 =	sadd.s32 $0x1880, s10;
	[sflag:s23] =	ssyncset.done $0x0  }
.Ltmp0:
0x64: {  	s9 =	sadd.s32 $0x7080, s9;
	[sflag:s23] =	ssyncadd.s32 $0xFFFFF380;
	(pc) =	sbr.rel @p0 .LBB2_2-.Ltmp0, $4  }
0x65: {  	[hbm4b:s10+s30] =	stream.strided.scatter [tilespmem:s9], [sflag:$0x2], $0xC80, s31, s30, $0x38;
	[tilespmem:$0xE100] =	vst v63  }
0x66: {  	_ =	swait.ge [sflag:s23], $0xC80  }
0x67: {  	[sflag:s23] =	ssyncset.done $0x0  }
0x68: {  	s7 =	sadd.s32 $0x1, s7;
	s28 =	sadd.s32 $0x190, s28;
	[sflag:s23] =	ssyncadd.s32 $0xFFFFF380  }
0x69: {  	[tilespmem:s1], [sflag:$0x1] =	stream.indirect.gather [hbm4b:s3+s24], $0x40, s8, s24, $0xb8;
	[tilespmem:$0xE100] =	vst v63  }
0x6a: {  	p0 =	seq.s32 s5, $0x1;
	s1 =	simm.s32 $0x6400;
	_ =	swait.ge [sflag:s29], $0x6400  }
0x6b: {  	s1 =	simm.s32 @!p0 $0x0;
	[sflag:s29] =	ssyncset.done $0x0  }
0x6c: {  	s4 =	sadd.s32 s4, s22;
	s5 =	sor.u32 $0x1900, s1;
	[sflag:s29] =	ssyncadd.s32 $0xFFFF9C00  }
0x6d: {  	[hbm4b:s4+s30] =	stream.strided.scatter [tilespmem:s5], [sflag:$0x2], $0xC80, s31, s30, $0x38;
	[tilespmem:$0xE100] =	vst v63  }
0x6e: {  	_ =	swait.ge [sflag:s23], $0xC80  }
0x6f: {  	[sflag:s23] =	ssyncset.done $0x0  }
0x70: {  	s6 =	sadd.s32 $0x380, s4;
	s7 =	sadd.s32 $0x2580, s1;
	[sflag:s23] =	ssyncadd.s32 $0xFFFFF380  }
0x71: {  	[hbm4b:s6+s30] =	stream.strided.scatter [tilespmem:s7], [sflag:$0x2], $0xC80, s31, s30, $0x38;
	[tilespmem:$0xE100] =	vst v63  }
0x72: {  	_ =	swait.ge [sflag:s23], $0xC80  }
0x73: {  	[sflag:s23] =	ssyncset.done $0x0  }
0x74: {  	s8 =	sadd.s32 $0x3200, s1;
	s7 =	sadd.s32 $0x700, s4;
	[sflag:s23] =	ssyncadd.s32 $0xFFFFF380  }
0x75: {  	[hbm4b:s7+s30] =	stream.strided.scatter [tilespmem:s8], [sflag:$0x2], $0xC80, s31, s30, $0x38;
	[tilespmem:$0xE100] =	vst v63  }
0x76: {  	_ =	swait.ge [sflag:s23], $0xC80  }
0x77: {  	[sflag:s23] =	ssyncset.done $0x0  }
0x78: {  	s9 =	sadd.s32 $0xA80, s4;
	s10 =	sadd.s32 $0x3E80, s1;
	[sflag:s23] =	ssyncadd.s32 $0xFFFFF380  }
0x79: {  	[hbm4b:s9+s30] =	stream.strided.scatter [tilespmem:s10], [sflag:$0x2], $0xC80, s31, s30, $0x38;
	[tilespmem:$0xE100] =	vst v63  }
0x7a: {  	_ =	swait.ge [sflag:s23], $0xC80  }
0x7b: {  	[sflag:s23] =	ssyncset.done $0x0  }
0x7c: {  	s11 =	sadd.s32 $0xE00, s4;
	s12 =	sadd.s32 $0x4B00, s1;
	[sflag:s23] =	ssyncadd.s32 $0xFFFFF380  }
0x7d: {  	[hbm4b:s11+s30] =	stream.strided.scatter [tilespmem:s12], [sflag:$0x2], $0xC80, s31, s30, $0x38;
	[tilespmem:$0xE100] =	vst v63  }
0x7e: {  	_ =	swait.ge [sflag:s23], $0xC80  }
0x7f: {  	[sflag:s23] =	ssyncset.done $0x0  }
0x80: {  	s7 =	sadd.s32 $0x1180, s4;
	s8 =	sadd.s32 $0x5780, s1;
	[sflag:s23] =	ssyncadd.s32 $0xFFFFF380  }
0x81: {  	[hbm4b:s7+s30] =	stream.strided.scatter [tilespmem:s8], [sflag:$0x2], $0xC80, s31, s30, $0x38;
	[tilespmem:$0xE100] =	vst v63  }
0x82: {  	_ =	swait.ge [sflag:s23], $0xC80  }
0x83: {  	[sflag:s23] =	ssyncset.done $0x0  }
0x84: {  	s9 =	sadd.s32 $0x1500, s4;
	s10 =	sadd.s32 $0x6400, s1;
	[sflag:s23] =	ssyncadd.s32 $0xFFFFF380  }
0x85: {  	[hbm4b:s9+s30] =	stream.strided.scatter [tilespmem:s10], [sflag:$0x2], $0xC80, s31, s30, $0x38;
	[tilespmem:$0xE100] =	vst v63  }
0x86: {  	_ =	swait.ge [sflag:s23], $0xC80  }
0x87: {  	[sflag:s23] =	ssyncset.done $0x0  }
0x88: {  	s4 =	sadd.s32 $0x1880, s4;
	s1 =	sadd.s32 $0x7080, s1;
	[sflag:s23] =	ssyncadd.s32 $0xFFFFF380  }
0x89: {  	[hbm4b:s4+s30] =	stream.strided.scatter [tilespmem:s1], [sflag:$0x2], $0xC80, s31, s30, $0x38;
	[tilespmem:$0xE100] =	vst v63  }
0x8a: {  	_ =	swait.ge [sflag:s23], $0xC80  }
0x8b: {  	[sflag:s23] =	ssyncset.done $0x0  }
0x8c: {  	[sflag:s23] =	ssyncadd.s32 $0xFFFFF380  }
0x8d: {  	[tilespmem:s5], [sflag:$0x1] =	stream.indirect.gather [hbm4b:s3+s24], $0x40, s28, s24, $0xb8;
	[tilespmem:$0xE100] =	vst v63  }
0x8e: {  	_ =	swait.ge [sflag:s29], $0x6400  }
0x8f: {  	[sflag:s29] =	ssyncset.done $0x0  }
0x90: {  	s11 =	rddreg [dreg:$0x4];
	[sflag:s29] =	ssyncadd.s32 $0xFFFF9C00  }
0x91: {  	[hbm4b:s11+s30] =	stream.strided.scatter [tilespmem:s25], [sflag:$0x2], $0xC80, s31, s30, $0x38;
	[tilespmem:$0xE100] =	vst v63  }
0x92: {  	_ =	swait.ge [sflag:s23], $0xC80  }
0x93: {  	[sflag:s23] =	ssyncset.done $0x0  }
0x94: {  	s28 =	simm.s32 $0x2580;
	s12 =	rddreg [dreg:$0x5];
	[sflag:s23] =	ssyncadd.s32 $0xFFFFF380  }
0x95: {  	[hbm4b:s12+s30] =	stream.strided.scatter [tilespmem:s28], [sflag:$0x2], $0xC80, s31, s30, $0x38;
	[tilespmem:$0xE100] =	vst v63  }
0x96: {  	_ =	swait.ge [sflag:s23], $0xC80  }
0x97: {  	[sflag:s23] =	ssyncset.done $0x0  }
0x98: {  	s5 =	simm.s32 $0x3200;
	s4 =	rddreg [dreg:$0x6];
	[sflag:s23] =	ssyncadd.s32 $0xFFFFF380  }
0x99: {  	[hbm4b:s4+s30] =	stream.strided.scatter [tilespmem:s5], [sflag:$0x2], $0xC80, s31, s30, $0x38;
	[tilespmem:$0xE100] =	vst v63  }
0x9a: {  	_ =	swait.ge [sflag:s23], $0xC80  }
0x9b: {  	[sflag:s23] =	ssyncset.done $0x0  }
0x9c: {  	s7 =	simm.s32 $0x3E80;
	s6 =	rddreg [dreg:$0x7];
	[sflag:s23] =	ssyncadd.s32 $0xFFFFF380  }
0x9d: {  	[hbm4b:s6+s30] =	stream.strided.scatter [tilespmem:s7], [sflag:$0x2], $0xC80, s31, s30, $0x38;
	[tilespmem:$0xE100] =	vst v63  }
0x9e: {  	_ =	swait.ge [sflag:s23], $0xC80  }
0x9f: {  	[sflag:s23] =	ssyncset.done $0x0  }
0xa0: {  	s9 =	simm.s32 $0x4B00;
	s8 =	rddreg [dreg:$0x8];
	[sflag:s23] =	ssyncadd.s32 $0xFFFFF380  }
0xa1: {  	[hbm4b:s8+s30] =	stream.strided.scatter [tilespmem:s9], [sflag:$0x2], $0xC80, s31, s30, $0x38;
	[tilespmem:$0xE100] =	vst v63  }
0xa2: {  	_ =	swait.ge [sflag:s23], $0xC80  }
0xa3: {  	[sflag:s23] =	ssyncset.done $0x0  }
0xa4: {  	s11 =	simm.s32 $0x5780;
	s10 =	rddreg [dreg:$0x9];
	[sflag:s23] =	ssyncadd.s32 $0xFFFFF380  }
0xa5: {  	[hbm4b:s10+s30] =	stream.strided.scatter [tilespmem:s11], [sflag:$0x2], $0xC80, s31, s30, $0x38;
	[tilespmem:$0xE100] =	vst v63  }
0xa6: {  	_ =	swait.ge [sflag:s23], $0xC80  }
0xa7: {  	[sflag:s23] =	ssyncset.done $0x0  }
0xa8: {  	s28 =	simm.s32 $0x6400;
	s12 =	rddreg [dreg:$0xa];
	[sflag:s23] =	ssyncadd.s32 $0xFFFFF380  }
0xa9: {  	[hbm4b:s12+s30] =	stream.strided.scatter [tilespmem:s28], [sflag:$0x2], $0xC80, s31, s30, $0x38;
	[tilespmem:$0xE100] =	vst v63  }
0xaa: {  	_ =	swait.ge [sflag:s23], $0xC80  }
0xab: {  	[sflag:s23] =	ssyncset.done $0x0  }
0xac: {  	s6 =	simm.s32 $0x7080;
	s5 =	rddreg [dreg:$0xb];
	[sflag:s23] =	ssyncadd.s32 $0xFFFFF380  }
0xad: {  	[hbm4b:s5+s30] =	stream.strided.scatter [tilespmem:s6], [sflag:$0x2], $0xC80, s31, s30, $0x38;
	[tilespmem:$0xE100] =	vst v63  }
0xae: {  	_ =	swait.ge [sflag:s23], $0xC80  }
0xaf: {  	[sflag:s23] =	ssyncset.done $0x0  }
0xb0: {  	[sflag:s23] =	ssyncadd.s32 $0xFFFFF380  }
0xb1: {  	_ =	swait.ge [sflag:s29], $0x6400  }
0xb2: {  	[sflag:s29] =	ssyncset.done $0x0  }
0xb3: {  	[sflag:s29] =	ssyncadd.s32 $0xFFFF9C00  }
0xb4: {  	[hbm4b:s13+s30] =	stream.strided.scatter [tilespmem:s26], [sflag:$0x2], $0xC80, s31, s30, $0x38;
	[tilespmem:$0xE100] =	vst v63  }
0xb5: {  	_ =	swait.ge [sflag:s23], $0xC80  }
0xb6: {  	[sflag:s23] =	ssyncset.done $0x0  }
0xb7: {  	s7 =	simm.s32 $0x8980;
	[sflag:s23] =	ssyncadd.s32 $0xFFFFF380  }
0xb8: {  	[hbm4b:s14+s30] =	stream.strided.scatter [tilespmem:s7], [sflag:$0x2], $0xC80, s31, s30, $0x38;
	[tilespmem:$0xE100] =	vst v63  }
0xb9: {  	_ =	swait.ge [sflag:s23], $0xC80  }
0xba: {  	[sflag:s23] =	ssyncset.done $0x0  }
0xbb: {  	s8 =	simm.s32 $0x9600;
	[sflag:s23] =	ssyncadd.s32 $0xFFFFF380  }
0xbc: {  	[hbm4b:s15+s30] =	stream.strided.scatter [tilespmem:s8], [sflag:$0x2], $0xC80, s31, s30, $0x38;
	[tilespmem:$0xE100] =	vst v63  }
0xbd: {  	_ =	swait.ge [sflag:s23], $0xC80  }
0xbe: {  	[sflag:s23] =	ssyncset.done $0x0  }
0xbf: {  	s9 =	simm.s32 $0xA280;
	[sflag:s23] =	ssyncadd.s32 $0xFFFFF380  }
0xc0: {  	[hbm4b:s16+s30] =	stream.strided.scatter [tilespmem:s9], [sflag:$0x2], $0xC80, s31, s30, $0x38;
	[tilespmem:$0xE100] =	vst v63  }
0xc1: {  	_ =	swait.ge [sflag:s23], $0xC80  }
0xc2: {  	[sflag:s23] =	ssyncset.done $0x0  }
0xc3: {  	s10 =	simm.s32 $0xAF00;
	[sflag:s23] =	ssyncadd.s32 $0xFFFFF380  }
0xc4: {  	[hbm4b:s17+s30] =	stream.strided.scatter [tilespmem:s10], [sflag:$0x2], $0xC80, s31, s30, $0x38;
	[tilespmem:$0xE100] =	vst v63  }
0xc5: {  	_ =	swait.ge [sflag:s23], $0xC80  }
0xc6: {  	[sflag:s23] =	ssyncset.done $0x0  }
0xc7: {  	s11 =	simm.s32 $0xBB80;
	[sflag:s23] =	ssyncadd.s32 $0xFFFFF380  }
0xc8: {  	[hbm4b:s18+s30] =	stream.strided.scatter [tilespmem:s11], [sflag:$0x2], $0xC80, s31, s30, $0x38;
	[tilespmem:$0xE100] =	vst v63  }
0xc9: {  	_ =	swait.ge [sflag:s23], $0xC80  }
0xca: {  	[sflag:s23] =	ssyncset.done $0x0  }
0xcb: {  	s12 =	simm.s32 $0xC800;
	[sflag:s23] =	ssyncadd.s32 $0xFFFFF380  }
0xcc: {  	[hbm4b:s19+s30] =	stream.strided.scatter [tilespmem:s12], [sflag:$0x2], $0xC80, s31, s30, $0x38;
	[tilespmem:$0xE100] =	vst v63  }
0xcd: {  	s0 =	sadd.s32 $0x1, s0;
	_ =	swait.ge [sflag:s23], $0xC80  }
0xce: {  	p0 =	sne.s32 s0, s21;
	[sflag:s23] =	ssyncset.done $0x0  }
.Ltmp1:
0xcf: {  	s28 =	simm.s32 $0xD480;
	[sflag:s23] =	ssyncadd.s32 $0xFFFFF380;
	(pc) =	sbr.rel @p0 .LBB2_1-.Ltmp1, $4  }
0xd0: {  	[hbm4b:s20+s30] =	stream.strided.scatter [tilespmem:s28], [sflag:$0x2], $0xC80, s31, s30, $0x38;
	[tilespmem:$0xE100] =	vst v63  }
0xd1: {  	_ =	swait.ge [sflag:s23], $0xC80  }
0xd2: {  	[sflag:s23] =	ssyncset.done $0x0  }
0xd3: {  	[sflag:s23] =	ssyncadd.s32 $0xFFFFF380  }
0xd4: {  	_ =	sfence.sel $0x180000  }
0xd5: {  	[bflag:$0x0] =	sbarrier.arrive $0xFFFF  }
0xd6: {  	_ =	strace $0x90000047  }
0xd7: {  	s0 =	stileid.u32;
	[bflag:$0x2] =	sbarrier.arrive $0xFFFF  }
0xd8: {  	p0 =	sne.s32 s0, $0x0;
	s0 =	rddreg [dreg:$0x2]  }
0xd9: {  	s0 =	sadd.s32 @!p0 $0x100000, s0  }
0xda: {  	[sflag:s0] =	ssyncadd.tile.s32 @!p0 $0x1;
	_ =	shalt  }
.Lfunc_end2:
_tile_overlayer_lowered:
.L_overlay_start_2:
0xdb: {  	(tag) =	ssettag $0x2  }
0xdc: {  	s0 =	rddreg [dreg:$0x0];
	s2 =	stileid.u32  }
0xdd: {  	s1 =	rddreg [dreg:$0x1];
	p0 =	sne.s32 s2, $0x0  }
0xde: {  	s3 =	rddreg [dreg:$0x2];
	[bflag:$0x3] =	sbarrier.arrive $0xFFFF;
	s2 =	simm.s32 @!p0 $0x1C02  }
0xdf: {  	[timem:s3], [sflag:s2] =	dma.local @!p0 [hbm:s0], s1  }
0xe0: {  	s0 =	simm.s32 @!p0 $0x2  }
0xe1: {  	_ =	swait.ge @!p0 [sflag:s0], s1  }
0xe2: {  	s1 =	ssub.s32 @!p0 $0x0, s1;
	[sflag:s0] =	ssyncset.done @!p0 $0x0  }
0xe3: {  	[sflag:s0] =	ssyncadd.s32 @!p0 s1  }
0xe4: {  	[bflag:$0x3] =	sbarrier.arrive $0xFFFF  }
0xe5: {  	_ =	shalt  }

// kernel: sparse-core-data-format-call.cloned.1.call-start
scs
called_computation_lowered:
.L_overlay_start_0:
0x0: {  	s2 =	sld [smem:$0x3FD9]  }
0x1: {  	s3 =	sld [smem:$0x3FFE];
	_ =	sdelay $0x1  }
0x2: {  	s1 =	srdreg.scid  }
0x3: {  	s0 =	sand.u32 $0x1, s1  }
0x4: {  	s18 =	sshll.u32 s0, $0xA;
	s2 =	sadd.s32 s3, s2  }
0x5: {  	s2 =	sadd.s32 s2, s18  }
0x6: {  	[smem:$0x3FC6] =	sst s2  }
0x7: {  	_ = 	snop  }
0x8: {  	s2 =	sld [smem:$0x3FD0];
	(tm) =	ssettm $0x1  }
0x9: {  	s19 =	sld [smem:$0x3FFB];
	_ =	sdelay $0x3  }
0xa: {  	_ =	strace s19  }
0xb: {  	s3 =	sld [smem:$0x3FFC];
	_ =	sdelay $0x3  }
0xc: {  	_ =	strace s3  }
0xd: {  	s3 =	sld [smem:$0x3FFD];
	_ =	sdelay $0x3  }
0xe: {  	_ =	strace s3  }
0xf: {  	_ =	strace $0x8FFFFFFF  }
0x10: {  	s20 =	sld [smem:$0x3FDB];
	_ =	sdelay $0x1  }
0x11: {  	s4 =	simm.s32 $_scs_section_size  }
0x12: {  	s5 =	simm.s32 $_size__tile_overlayer_lowered;
	s6 =	simm.s32 $_tile_overlayer_lowered  }
0x13: {  	s23 =	simm.s32 $0x1BFF;
	s22 =	sshll.u32 s6, $0x1;
	s3 =	sadd.s32 s4, s20  }
0x14: {  	s7 =	simm.s32 $0x0;
	s21 =	sshll.u32 s5, $0x1;
	s5 =	sadd.s32 s22, s3  }
0x15: {  	[timem:s7], [sflag:s23] =	dma.local [hbm:s5], s21  }
0x16: {  	_ =	swait.ge [sflag:s23], s21  }
0x17: {  	s4 =	ssub.s32 $0x0, s21;
	[sflag:s23] =	ssyncset.done $0x0  }
0x18: {  	[sflag:s23] =	ssyncadd.s32 s4;
	_ =	sdelay $0x1  }
0x19: {  	s24 =	simm.s32 $0x1B8B  }
0x1a: {  	_ =	swait.ge [sflag:s24], $0x1  }
0x1b: {  	[sflag:s24] =	ssyncset.done $0x0  }
0x1c: {  	s26 =	simm.s32 $0x1B8E;
	s25 =	sld [smem:$0x3FFE];
	[sflag:s24] =	ssyncadd.s32 $0xFFFFFFFF  }
0x1d: {  	s27 =	simm.s32 $execute0_lowered;
	[smem:$0x3FD2] =	sst s26  }
0x1e: {  	s5 =	sshll.u32 s27, $0x1;
	_ =	strace $0x80000049;
	[dreg:$0x1] =	wrdreg $0xFFFFFFFF  }
0x1f: {  	s28 =	simm.s32 $_size_execute0_lowered;
	s3 =	sadd.s32 s3, s5;
	[dreg:$0x0] =	wrdreg $0x0  }
0x20: {  	s5 =	sshll.u32 s28, $0x1;
	[dreg:$0x2] =	wrdreg s3  }
0x21: {  	[dreg:$0x3] =	wrdreg s5  }
0x22: {  	[dreg:$0x4] =	wrdreg $0xC0  }
0x23: {  	_ =	task [dreg:s7], $0x5FFFF  }
0x24: {  	[dreg:$0x1] =	wrdreg $0xFFFFFFFF  }
0x25: {  	[dreg:$0x0] =	wrdreg $0x60  }
0x26: {  	[dreg:$0x2] =	wrdreg s25  }
0x27: {  	[dreg:$0x3] =	wrdreg s2  }
0x28: {  	[dreg:$0x4] =	wrdreg $0x9  }
0x29: {  	_ =	task.clear_ibuf [dreg:s7], $0x5FFFF;
	_ =	strace $0x90000049  }
0x2a: {  	s29 =	simm.s32 $0x9;
	_ =	strace $0x8000004B  }
0x2b: {  	_ =	swait.ge [sflag:s29], $0x1  }
0x2c: {  	[sflag:s29] =	ssyncadd.s32 $0xFFFFFFFF  }
0x2d: {  	_ =	strace $0x9000004B  }
0x2e: {  	_ =	sfence  }
0x2f: {  	s30 =	sld [smem:$0x0];
	_ =	sdelay $0x2  }
0x30: {  	s31 =	sshll.u32 s1, $0xD;
	s1 =	sshrl.u32 s1, $0x2  }
0x31: {  	s3 =	sand.u32 $0x4000, s31;
	s1 =	sadd.s32 s1, s30  }
0x32: {  	s0 =	sor.u32 s3, s0;
	s1 =	sshll.u32 s1, $0x11  }
0x33: {  	s0 =	sor.u32 s1, s0  }
0x34: {  	s0 =	sadd.s32 $0x8F2B, s0  }
0x35: {  	[sflag:s0] =	ssyncadd.remote.s32 $0x1  }
0x36: {  	_ =	sfence.sel $0xFFFF  }
0x37: {  	[dreg:$0x0] =	wrdreg $0xFFFFFFFF;
	(pc) =	sbr.abs _section_cstart, $3  }
0x38: {  	[dreg:$0x1] =	wrdreg $0xFFFFFFFF  }
0x39: {  	_ =	task.clear_ibuf [dreg:s7], $0x2FFFF;
	_ =	strace $0x9FFFFFFF  }
0x3a: {  	(tm) =	ssettm $0x7FFFFFFF  }
0x3b: {  	_ =	shalt  }
tec
execute0_lowered:
.L_overlay_start_1:
0x0: {  	(tag) =	ssettag $0x1  }
0x1: {  	s0 =	srdreg.scid  }
0x2: {  	s1 =	sshll.u32 s0, $0x4  }
0x3: {  	s0 =	stileid.u32;
	s1 =	sand.u32 $0x10, s1  }
0x4: {  	s1 =	sor.u32 s0, s1  }
0x5: {  	s6 =	rddreg [dreg:$0x0];
	s4 =	simm.s32 $0x1;
	s2 =	sshll.u32 s1, $0x7  }
0x6: {  	s7 =	simm.s32 $0x2;
	s12 =	simm.s32 $0x0;
	s1 =	ssub.s32 $0x1000, s2  }
0x7: {  	s8 =	simm.s32 $0x8000;
	s13 =	simm.s32 $0x0;
	s3 =	sand.u32 $0xF80, s1  }
0x8: {  	s9 =	simm.s32 $0x0;
	s5 =	sshrl.u32 s1, $0xC;
	p0 =	sne.s32 s3, $0x0  }
.Ltmp0:
0x9: {  	s1 =	rddreg [dreg:$0x2];
	s4 =	simm.s32 @!p0 $0x0;
	(pc) =	sbr.rel .LBB1_1-.Ltmp0, $4  }
0xa: {  	s11 =	simm.s32 $0x0;
	s3 =	rddreg [dreg:$0x1];
	s5 =	sadd.s32 s4, s5  }
0xb: {  	_ =	strace $0x8000004A;
	s4 =	simm.s32 $0x1;
	s5 =	smul.u32 $0x32, s5  }
0xc: {  	s6 =	sadd.s32 $0xA00, s6;
	s10 =	smov.u32 s2;
	[sflag:s4] =	ssyncpa.u1 $0x0  }
0xd: {  	p0 =	por $0x0, $0x0;
	[sflag:s7] =	ssyncpa.u1 $0x0;
	s7 =	sor.u32 $0x1, s5  }
.LBB1_4:
0xe: {  	s16 =	sshll.u32 s13, $0x3;
	s17 =	sand.u32 $0x78, s13  }
0xf: {  	s30 =	sand.u32 $0x7E00, s13;
	s12 =	sshll.u32 s12, $0xF;
	s16 =	sand.u32 $0xC00, s16  }
0x10: {  	[tilespmem:s15+$0x810 ss:$0x81] =	vst.msk $0xffff, v2;
	s31 =	sand.u32 $0x7, s13;
	s16 =	sor.u32 s17, s16;
	s17 =	sadd.s32 s3, s30  }
0x11: {  	[tilespmem:s15+$0x1020 ss:$0x81] =	vst.msk $0xffff, v0;
	s13 =	sshll.u32 s31, $0x12;
	s12 =	sadd.s32 s12, s17;
	s16 =	sshrl.u32 s16, $0x3  }
0x12: {  	[tilespmem:s15+$0x0 ss:$0x81] =	vst.msk $0xffff, v1;
	s13 =	sor.u32 $0x400, s13;
	s12 =	sadd.s32 s16, s12  }
0x13: {  	[hbm4b:s12+s13] =	stream.strided.scatter [tilespmem:s14], [sflag:$0x2], $0x2000, s8, s13, $0x20;
	[tilespmem:$0x8080] =	vst v63  }
.LBB1_5:
0x14: {  	s14 =	sadd.s32 $0x1, s9  }
0x15: {  	s12 =	sadd.s32 $0x1000, s10;
	s16 =	smov.u32 s10;
	p2 =	sgt.s32 s14, $0x31  }
0x16: {  	s16 =	smov.u32 @p2 s12  }
0x17: {  	s14 =	simm.s32 @p2 $0x0;
	p2 =	sgt.s32 s16, $0xFFF  }
0x18: {  	s16 =	smov.u32 @p2 s2;
	p2 =	sne.s32 s11, s7  }
.Ltmp1:
0x19: {  	p1 =	slt.u32 s11, $0x2;
	(pc) =	sbr.rel @!p2 .LBB1_6-.Ltmp1, $4  }
0x1a: {  	s15 =	simm.s32 @!p1 $0x2  }
0x1b: {  	s13 =	smov.u32 s10;
	p0 =	por !p0, !p0;
	_ =	swait.ge @!p1 [sflag:s15], $0x2000  }
0x1c: {  	s12 =	smov.u32 s9;
	[sflag:s15] =	ssyncset.done @!p1 $0x0;
	s9 =	smov.u32 s14  }
0x1d: {  	s11 =	sadd.s32 $0x1, s11;
	[sflag:s15] =	ssyncadd.s32 @!p1 $0xFFFFE000;
	s10 =	smov.u32 s16  }
.LBB1_1:
0x1e: {  	p1 =	sge.u32 s11, s5  }
0x1f: {  	s14 =	sand.u32 @!p1 $0x1FFFFFF, s9  }
0x20: {  	s15 =	smulhi.u32 @!p1 $0x4924925, s14;
	_ =	sdelay $0x1  }
0x21: {  	s15 =	smul.u32 @!p1 $0x38, s15  }
0x22: {  	s16 =	sxor.u32 @!p1 $0xFFFFFFFF, s11;
	s17 =	smul.u32 @!p1 $0x380, s10  }
0x23: {  	s31 =	sadd.s32 $0xFFFFFFFF, s11;
	s16 =	sshll.u32 @!p1 s16, $0xD;
	s14 =	ssub.s32 @!p1 s14, s15  }
0x24: {  	s15 =	sand.u32 @!p1 $0x2000, s16;
	s16 =	sadd.s32 @!p1 s6, s17;
	s14 =	sshll.u32 @!p1 s14, $0x4  }
0x25: {  	s17 =	simm.s32 @!p1 $0x1C00;
	s14 =	sadd.s32 @!p1 s14, s16;
	s16 =	simm.s32 @!p1 $0x40  }
0x26: {  	[tilespmem:s15], [sflag:$0x1] =	stream.strided.gather @!p1 [hbm4b:s14+s16], $0x2000, s17, s16, $0x38;
	[tilespmem:$0x8080] =	vst v63  }
0x27: {  	p1 =	sge.u32 s31, s5  }
.Ltmp2:
0x28: {  	_ = 	snop;
	(pc) =	sbr.rel @p1 .LBB1_5-.Ltmp2, $1  }
0x29: {  	_ =	sdelay $0x3  }
0x2a: {  	s14 =	simm.s32 $0x1  }
0x2b: {  	_ =	swait.ge [sflag:s4], $0x2000;
	s14 =	simm.s32 @!p0 $0x0  }
0x2c: {  	[sflag:s4] =	ssyncset.done $0x0;
	s15 =	sshll.u32 s14, $0xD  }
0x2d: {  	[sflag:s4] =	ssyncadd.s32 $0xFFFFE000;
	s18 =	sor.u32 $0x20, s15  }
0x2e: {  	s14 =	smul.u32 $0x8100, s14;
	v3 =	vld [tilespmem:s18+$0x10]  }
0x2f: {  	s30 =	sand.u32 $0x1, s11;
	v2 =	vld [tilespmem:s18+$0xFFFFFFF0]  }
0x30: {  	s15 =	smul.u32 $0x8100, s30;
	s14 =	sshrl.u32 s14, $0x2;
	v0 =	vld [tilespmem:s18+$0x0]  }
0x31: {  	v1 =	vld [tilespmem:s18+$0xFFFFFFE0];
	s16 =	sor.u32 $0x4000, s14  }
0x32: {  	s31 =	sshrl.u32 s15, $0x2;
	s15 =	sadd.s32 $0x0, s16  }
0x33: {  	s17 =	simm.s32 $0x4;
	s18 =	sadd.s32 $0x40, s18;
	s14 =	sor.u32 $0x4000, s31;
	[tilespmem:s15+$0x1830 ss:$0x81] =	vst.msk $0xffff, v3  }
.LBB1_3:
0x34: {  	v3 =	vld [tilespmem:s18+$0x10];
	p1 =	sne.s32 s17, $0x1FC;
	[tilespmem:s15+$0x810 ss:$0x81] =	vst.msk $0xffff, v2;
	s19 =	smov.u32 s17;
	s17 =	sadd.s32 $0x4, s17  }
.Ltmp3:
0x35: {  	v2 =	vld [tilespmem:s18+$0xFFFFFFF0];
	[tilespmem:s15+$0x1020 ss:$0x81] =	vst.msk $0xffff, v0;
	(pc) =	sbr.rel @p1 .LBB1_3-.Ltmp3, $4  }
0x36: {  	v0 =	vld [tilespmem:s18+$0x0];
	[tilespmem:s15+$0x0 ss:$0x81] =	vst.msk $0xffff, v1  }
0x37: {  	s15 =	sshra.s32 s19, $0x2;
	v1 =	vld [tilespmem:s18+$0xFFFFFFE0]  }
0x38: {  	s15 =	sadd.s32 s15, s16  }
0x39: {  	s18 =	sadd.s32 $0x40, s18;
	[tilespmem:s15+$0x1830 ss:$0x81] =	vst.msk $0xffff, v3  }
.Ltmp4:
0x3a: {  	_ = 	snop;
	(pc) =	sbr.rel .LBB1_4-.Ltmp4, $1  }
0x3b: {  	_ =	sdelay $0x3  }
.LBB1_6:
0x3c: {  	_ =	sfence.sel $0x180000  }
0x3d: {  	s2 =	simm.s32 $0x1;
	[bflag:$0x0] =	sbarrier.arrive $0xFFFF  }
0x3e: {  	s31 =	simm.s32 $0x2;
	[sflag:s2] =	ssyncpa.u1 $0x1  }
0x3f: {  	[sflag:s31] =	ssyncpa.u1 $0x1  }
0x40: {  	p0 =	sne.s32 s0, $0x0;
	_ =	strace $0x9000004A  }
0x41: {  	s0 =	sadd.s32 @!p0 $0x100000, s1;
	[bflag:$0x2] =	sbarrier.arrive $0xFFFF  }
0x42: {  	[sflag:s0] =	ssyncadd.tile.s32 @!p0 $0x1;
	_ =	shalt  }
.Lfunc_end1:
_tile_overlayer_lowered:
.L_overlay_start_2:
0x43: {  	(tag) =	ssettag $0x2  }
0x44: {  	s0 =	rddreg [dreg:$0x0];
	s2 =	stileid.u32  }
0x45: {  	s1 =	rddreg [dreg:$0x1];
	p0 =	sne.s32 s2, $0x0  }
0x46: {  	s3 =	rddreg [dreg:$0x2];
	[bflag:$0x3] =	sbarrier.arrive $0xFFFF;
	s2 =	simm.s32 @!p0 $0x1C01  }
0x47: {  	[timem:s3], [sflag:s2] =	dma.local @!p0 [hbm:s0], s1  }
0x48: {  	s0 =	simm.s32 @!p0 $0x1  }
0x49: {  	_ =	swait.ge @!p0 [sflag:s0], s1  }
0x4a: {  	s1 =	ssub.s32 @!p0 $0x0, s1;
	[sflag:s0] =	ssyncset.done @!p0 $0x0  }
0x4b: {  	[sflag:s0] =	ssyncadd.s32 @!p0 s1  }
0x4c: {  	[bflag:$0x3] =	sbarrier.arrive $0xFFFF  }
0x4d: {  	_ =	shalt  }

</sc_bundles>
